<compile_context>
chip_gen: v7x
topology: tpu7x:2x2x1
jax: 0.10.2.dev20260603
libtpu: 0.0.44.dev20260713+nightly
codegen_flags: <defaults>
</compile_context>

<pallas_src>
import functools

import jax
import jax.numpy as jnp
from jax import lax
from jax.experimental import pallas as pl
from jax.experimental.pallas import tpu as pltpu
from jax.experimental.pallas import tpu_sc as plsc

_S = 64.0
_M = 0.5
_STD = 0.0125
_B = 1024
_C = 100000

_BCC = 2000
_NJ = _C // (2 * _BCC)



def _make_sc_gather():
    info = plsc.get_sparse_core_info()
    nc, ns, nl = info.num_cores, info.num_subcores, info.num_lanes
    nw = nc * ns
    per_w = _B // nw

    mesh = plsc.VectorSubcoreMesh(core_axis_name="c", subcore_axis_name="s")

    @functools.partial(
        pl.kernel,
        mesh=mesh,
        out_type=jax.ShapeDtypeStruct((_B,), jnp.float32),
        scratch_types=[
            pltpu.VMEM((per_w,), jnp.int32),
            pltpu.VMEM((per_w,), jnp.float32),
            pltpu.SemaphoreType.DMA,
        ],
    )
    def sc_gather(table_hbm, label_hbm, out_hbm, idx_v, picked_v, sem):
        wid = lax.axis_index("s") * nc + lax.axis_index("c")
        base = wid * per_w
        pltpu.sync_copy(label_hbm.at[pl.ds(base, per_w)], idx_v)
        for k in range(per_w // nl):
            c = idx_v[pl.ds(k * nl, nl)]
            b = base + k * nl + lax.iota(jnp.int32, nl)
            flat = (
                jnp.right_shift(c, 3) * 8192
                + jnp.right_shift(b, 7) * 1024
                + jnp.bitwise_and(c, 7) * 128
                + jnp.bitwise_and(b, 127)
            )
            idx_v[pl.ds(k * nl, nl)] = flat
        pltpu.async_copy(table_hbm.at[idx_v], picked_v, sem).wait()
        pltpu.sync_copy(picked_v, out_hbm.at[pl.ds(base, per_w)])

    return sc_gather



def _sumexp_kernel(xa_ref, xb_ref, acc_ref):
    j = pl.program_id(1)

    @pl.when(j == 0)
    def _():
        acc_ref[...] = jnp.zeros_like(acc_ref)

    h = _B // 2
    acca = acc_ref[:, :h]
    accb = acc_ref[:, h:]
    for k in range(_BCC // 200):
        sa = xa_ref[k * 200:(k + 1) * 200, :]
        sb = xb_ref[k * 200:(k + 1) * 200, :]
        ea = jnp.exp(sa * _S)
        eb = jnp.exp(sb * _S)
        for m in range(25):
            acca = acca + ea[m * 8:(m + 1) * 8, :]
            accb = accb + eb[m * 8:(m + 1) * 8, :]
    acc_ref[:, :h] = acca
    acc_ref[:, h:] = accb


def _combine_kernel(acc_ref, picked_ref, margin_ref, out_ref):
    rs = jnp.sum(acc_ref[...], axis=0, keepdims=True)
    c = jnp.clip(picked_ref[...], -1.0, 1.0)
    m = margin_ref[...]
    sin_t = jnp.sqrt(jnp.maximum(1.0 - c * c, 0.0))
    v = _S * (c * jnp.cos(m) - sin_t * jnp.sin(m))
    ev = jnp.exp(v)
    corrected = jnp.maximum(rs - jnp.exp(_S * c) + ev, ev)
    lse = jnp.log(corrected)
    out_ref[...] = jnp.full((1, 1), jnp.mean(lse - v), dtype=jnp.float32)


def kernel(input, label):
    x = input.astype(jnp.float32)
    label = label.astype(jnp.int32)

    xt = x.T
    flat_view = (
        xt.reshape(_C // 8, 8, _B // 128, 128)
        .transpose(0, 2, 1, 3)
        .reshape(_C * _B)
    )

    sc_gather = _make_sc_gather()
    picked = sc_gather(flat_view, label)

    acc = pl.pallas_call(
        _sumexp_kernel,
        grid=(2, _NJ),
        in_specs=[
            pl.BlockSpec((_BCC, _B // 2), lambda i, j: (i * _NJ + j, 0)),
            pl.BlockSpec((_BCC, _B // 2), lambda i, j: (i * _NJ + j, 1)),
        ],
        out_specs=pl.BlockSpec((8, _B), lambda i, j: (i, 0)),
        out_shape=jax.ShapeDtypeStruct((16, _B), jnp.float32),
        compiler_params=pltpu.CompilerParams(
            dimension_semantics=("parallel", "arbitrary"),
        ),
    )(xt, xt)

    margin = _M + _STD * jax.random.normal(
        jax.random.key(1234), (_B, 1), dtype=jnp.float32)

    out = pl.pallas_call(
        _combine_kernel,
        in_specs=[
            pl.BlockSpec((16, _B), lambda: (0, 0)),
            pl.BlockSpec((1, _B), lambda: (0, 0)),
            pl.BlockSpec((1, _B), lambda: (0, 0)),
        ],
        out_specs=pl.BlockSpec((1, 1), lambda: (0, 0)),
        out_shape=jax.ShapeDtypeStruct((1, 1), jnp.float32),
    )(acc, picked.reshape(1, _B), margin.reshape(1, _B))

    return out.reshape(())

# --- scband reference (transcript-rebuilt; emitter-appended) ---
"""Pipeline reference for scband-elastic-arc-face-loss-59562606461204 (READ-ONLY COPY).

The authoritative reference and input builder live on the scoring server;
editing this copy changes nothing except your own understanding.
"""

import jax, jax.numpy as jnp
import numpy as np

S = 64.0
M = 0.5
STD = 0.0125
GAMMA = 0.0
EPS = 1e-07
B = 1024
C = 100000


def setup_inputs(seed: int = 0):
    key = jax.random.key(seed)
    k1, k2 = jax.random.split(key)
    # cosine similarities in [0, 1) so clamp never saturates
    inp = jax.random.uniform(k1, (B, C), dtype=jnp.float32)
    label = jax.random.randint(k2, (B,), 0, C, dtype=jnp.int32)
    return {"input": inp, "label": label}


def reference(input, label):
    cos_theta = jnp.clip(input, -1.0, 1.0)
    # labels are drawn in [0, C), so label != -1 holds for every row;
    # the selected index set is statically arange(label.shape[0])
    index = jnp.arange(label.shape[0])
    n = index.shape[0]
    # margin ~ Normal(mean=M, std=STD), shape [n, 1]
    mkey = jax.random.key(1234)
    margin = M + STD * jax.random.normal(mkey, (n, 1), dtype=jnp.float32)
    m_hot = jnp.zeros((n, cos_theta.shape[1]), dtype=cos_theta.dtype)
    m_hot = m_hot.at[jnp.arange(n)[:, None], label[index][:, None]].set(margin)
    theta = jnp.arccos(cos_theta)
    theta = theta.at[index].add(m_hot)
    logits = jnp.cos(theta) * S
    # FocalLoss(gamma=0): ce then (1-p)^gamma * logp, mean
    lse = jax.scipy.special.logsumexp(logits, axis=1)
    picked = jnp.take_along_axis(logits, label[:, None].astype(jnp.int32), axis=1)[:, 0]
    logp = jnp.mean(lse - picked)
    p = jnp.exp(-logp)
    loss = (1.0 - p) ** GAMMA * logp
    return jnp.mean(loss)

if __name__ == "__main__":
    import jax
    _d = setup_inputs()
    print(jax.jit(kernel)(*tuple(_d.values())))

</pallas_src>

<mosaic_0001>
#map = affine_map<(d0, d1) -> (0)>
module attributes {stable_mosaic.version = 14 : i64} {
  func.func @sc_gather(%arg0: i32, %arg1: i32, %arg2: memref<102400000xf32, #tpu.memory_space<hbm>>, %arg3: memref<1024xi32, #tpu.memory_space<hbm>>, %arg4: memref<1024xf32, #tpu.memory_space<hbm>>, %arg5: memref<32xi32, #tpu.memory_space<vmem>>, %arg6: memref<32xf32, #tpu.memory_space<vmem>>, %arg7: memref<!tpu.dma_semaphore, #tpu.memory_space<semaphore_mem>>) attributes {dimension_semantics = [#tpu.dimension_semantics<core_parallel>, #tpu.dimension_semantics<subcore_parallel>], iteration_bounds = array<i64: 2, 16>, scalar_prefetch = 0 : i64, scratch_operands = 3 : i64, tpu.core_type = #tpu.core_type<sc_vector_subcore>, window_params = [{transform_indices = #map}, {transform_indices = #map}, {transform_indices = #map}]} {
    %mul3A = arith.constant 2 : i32
    %mul3A_0 = arith.muli %arg1, %mul3A : i32
    %add3A = arith.addi %mul3A_0, %arg0 : i32
    %mul3A_1 = arith.constant 32 : i32
    %mul3A_2 = arith.muli %add3A, %mul3A_1 : i32
    "tpu.region"() ({
      %run_scoped3A = tpu.sem_alloc : memref<!tpu.dma_semaphore, #tpu.memory_space<semaphore_mem>>
      %dma_start3A_72 = tpu.memref_slice %arg3[%mul3A_2] : memref<1024xi32, #tpu.memory_space<hbm>> -> memref<32xi32, #tpu.memory_space<hbm>>
      %dma_start3A_73 = tpu.memref_slice %arg3[%mul3A_2] : memref<1024xi32, #tpu.memory_space<hbm>> -> memref<32xi32, #tpu.memory_space<hbm>>
      tpu.enqueue_dma source(%dma_start3A_73 : memref<32xi32, #tpu.memory_space<hbm>>) target(%arg5 : memref<32xi32, #tpu.memory_space<vmem>>) target_semaphore(%run_scoped3A : memref<!tpu.dma_semaphore, #tpu.memory_space<semaphore_mem>>)
      %dma_wait3A_74 = tpu.memref_slice %arg3[%mul3A_2] : memref<1024xi32, #tpu.memory_space<hbm>> -> memref<32xi32, #tpu.memory_space<hbm>>
      %dma_wait3A_75 = tpu.memref_slice %arg3[%mul3A_2] : memref<1024xi32, #tpu.memory_space<hbm>> -> memref<32xi32, #tpu.memory_space<hbm>>
      tpu.wait_dma2 semaphore(%run_scoped3A : memref<!tpu.dma_semaphore, #tpu.memory_space<semaphore_mem>>) src(%dma_wait3A_75 : memref<32xi32, #tpu.memory_space<hbm>>) dst(%arg5 : memref<32xi32, #tpu.memory_space<vmem>>)
      tpu.yield
    }) : () -> ()
    %get3A = arith.constant 0 : index
    %get3A_3 = tpu.vector_load %arg5[%get3A] {strides = array<i32>} : memref<32xi32, #tpu.memory_space<vmem>>, vector<16xi32>,
    %get3A_4 = vector.shape_cast %get3A_3 : vector<16xi32> to vector<16xi32>
    %add3A_5 = arith.constant 0 : i32
    %add3A_6 = arith.addi %mul3A_2, %add3A_5 : i32
    %iota3A = tpu.iota {dimensions = array<i32: 0>} : vector<16xi32>
    %add3A_7 = vector.broadcast %add3A_6 : i32 to vector<16xi32>
    %add3A_8 = arith.addi %add3A_7, %iota3A : vector<16xi32>
    %shift_right_arithmetic3A = arith.constant 3 : i32
    %shift_right_arithmetic3A_9 = vector.broadcast %shift_right_arithmetic3A : i32 to vector<16xi32>
    %shift_right_arithmetic3A_10 = arith.shrsi %get3A_4, %shift_right_arithmetic3A_9 : vector<16xi32>
    %mul3A_11 = arith.constant 8192 : i32
    %mul3A_12 = vector.broadcast %mul3A_11 : i32 to vector<16xi32>
    %mul3A_13 = arith.muli %shift_right_arithmetic3A_10, %mul3A_12 : vector<16xi32>
    %shift_right_arithmetic3A_14 = arith.constant 7 : i32
    %shift_right_arithmetic3A_15 = vector.broadcast %shift_right_arithmetic3A_14 : i32 to vector<16xi32>
    %shift_right_arithmetic3A_16 = arith.shrsi %add3A_8, %shift_right_arithmetic3A_15 : vector<16xi32>
    %mul3A_17 = arith.constant 1024 : i32
    %mul3A_18 = vector.broadcast %mul3A_17 : i32 to vector<16xi32>
    %mul3A_19 = arith.muli %shift_right_arithmetic3A_16, %mul3A_18 : vector<16xi32>
    %add3A_20 = arith.addi %mul3A_13, %mul3A_19 : vector<16xi32>
    %and3A = arith.constant 7 : i32
    %and3A_21 = vector.broadcast %and3A : i32 to vector<16xi32>
    %and3A_22 = arith.andi %get3A_4, %and3A_21 : vector<16xi32>
    %mul3A_23 = arith.constant 128 : i32
    %mul3A_24 = vector.broadcast %mul3A_23 : i32 to vector<16xi32>
    %mul3A_25 = arith.muli %and3A_22, %mul3A_24 : vector<16xi32>
    %add3A_26 = arith.addi %add3A_20, %mul3A_25 : vector<16xi32>
    %and3A_27 = arith.constant 127 : i32
    %and3A_28 = vector.broadcast %and3A_27 : i32 to vector<16xi32>
    %and3A_29 = arith.andi %add3A_8, %and3A_28 : vector<16xi32>
    %add3A_30 = arith.addi %add3A_26, %and3A_29 : vector<16xi32>
    %swap3A = arith.constant 0 : index
    %swap3A_31 = tpu.vector_load %arg5[%swap3A] {strides = array<i32>} : memref<32xi32, #tpu.memory_space<vmem>>, vector<16xi32>,
    %swap3A_32 = vector.shape_cast %swap3A_31 : vector<16xi32> to vector<16xi32>
    %swap3A_33 = vector.shape_cast %add3A_30 : vector<16xi32> to vector<16xi32>
    tpu.vector_store %arg5[%swap3A], %swap3A_33 {strides = array<i32>} : memref<32xi32, #tpu.memory_space<vmem>>, vector<16xi32>,
    %get3A_34 = arith.constant 16 : index
    %get3A_35 = tpu.vector_load %arg5[%get3A_34] {strides = array<i32>} : memref<32xi32, #tpu.memory_space<vmem>>, vector<16xi32>,
    %get3A_36 = vector.shape_cast %get3A_35 : vector<16xi32> to vector<16xi32>
    %add3A_37 = arith.constant 16 : i32
    %add3A_38 = arith.addi %mul3A_2, %add3A_37 : i32
    %iota3A_39 = tpu.iota {dimensions = array<i32: 0>} : vector<16xi32>
    %add3A_40 = vector.broadcast %add3A_38 : i32 to vector<16xi32>
    %add3A_41 = arith.addi %add3A_40, %iota3A_39 : vector<16xi32>
    %shift_right_arithmetic3A_42 = arith.constant 3 : i32
    %shift_right_arithmetic3A_43 = vector.broadcast %shift_right_arithmetic3A_42 : i32 to vector<16xi32>
    %shift_right_arithmetic3A_44 = arith.shrsi %get3A_36, %shift_right_arithmetic3A_43 : vector<16xi32>
    %mul3A_45 = arith.constant 8192 : i32
    %mul3A_46 = vector.broadcast %mul3A_45 : i32 to vector<16xi32>
    %mul3A_47 = arith.muli %shift_right_arithmetic3A_44, %mul3A_46 : vector<16xi32>
    %shift_right_arithmetic3A_48 = arith.constant 7 : i32
    %shift_right_arithmetic3A_49 = vector.broadcast %shift_right_arithmetic3A_48 : i32 to vector<16xi32>
    %shift_right_arithmetic3A_50 = arith.shrsi %add3A_41, %shift_right_arithmetic3A_49 : vector<16xi32>
    %mul3A_51 = arith.constant 1024 : i32
    %mul3A_52 = vector.broadcast %mul3A_51 : i32 to vector<16xi32>
    %mul3A_53 = arith.muli %shift_right_arithmetic3A_50, %mul3A_52 : vector<16xi32>
    %add3A_54 = arith.addi %mul3A_47, %mul3A_53 : vector<16xi32>
    %and3A_55 = arith.constant 7 : i32
    %and3A_56 = vector.broadcast %and3A_55 : i32 to vector<16xi32>
    %and3A_57 = arith.andi %get3A_36, %and3A_56 : vector<16xi32>
    %mul3A_58 = arith.constant 128 : i32
    %mul3A_59 = vector.broadcast %mul3A_58 : i32 to vector<16xi32>
    %mul3A_60 = arith.muli %and3A_57, %mul3A_59 : vector<16xi32>
    %add3A_61 = arith.addi %add3A_54, %mul3A_60 : vector<16xi32>
    %and3A_62 = arith.constant 127 : i32
    %and3A_63 = vector.broadcast %and3A_62 : i32 to vector<16xi32>
    %and3A_64 = arith.andi %add3A_41, %and3A_63 : vector<16xi32>
    %add3A_65 = arith.addi %add3A_61, %and3A_64 : vector<16xi32>
    %swap3A_66 = arith.constant 16 : index
    %swap3A_67 = tpu.vector_load %arg5[%swap3A_66] {strides = array<i32>} : memref<32xi32, #tpu.memory_space<vmem>>, vector<16xi32>,
    %swap3A_68 = vector.shape_cast %swap3A_67 : vector<16xi32> to vector<16xi32>
    %swap3A_69 = vector.shape_cast %add3A_65 : vector<16xi32> to vector<16xi32>
    tpu.vector_store %arg5[%swap3A_66], %swap3A_69 {strides = array<i32>} : memref<32xi32, #tpu.memory_space<vmem>>, vector<16xi32>,
    %dma_start3A = arith.constant 0 : i32
    %dma_start3A_70 = tpu.memref_slice %arg2[%dma_start3A] : memref<102400000xf32, #tpu.memory_space<hbm>> -> memref<102400000xf32, #tpu.memory_space<hbm>>
    tpu.enqueue_indirect_dma source(%dma_start3A_70 : memref<102400000xf32, #tpu.memory_space<hbm>>) target(%arg6 : memref<32xf32, #tpu.memory_space<vmem>>) offsets(%arg5 : memref<32xi32, #tpu.memory_space<vmem>>) semaphore(%arg7 : memref<!tpu.dma_semaphore, #tpu.memory_space<semaphore_mem>>)
    %dma_wait3A = arith.constant 0 : i32
    %dma_wait3A_71 = tpu.memref_slice %arg2[%dma_wait3A] : memref<102400000xf32, #tpu.memory_space<hbm>> -> memref<102400000xf32, #tpu.memory_space<hbm>>
    tpu.wait_indirect_dma semaphore(%arg7 : memref<!tpu.dma_semaphore, #tpu.memory_space<semaphore_mem>>) src(%dma_wait3A_71 : memref<102400000xf32, #tpu.memory_space<hbm>>) dst(%arg6 : memref<32xf32, #tpu.memory_space<vmem>>)
    "tpu.region"() ({
      %run_scoped3A = tpu.sem_alloc : memref<!tpu.dma_semaphore, #tpu.memory_space<semaphore_mem>>
      %dma_start3A_72 = tpu.memref_slice %arg4[%mul3A_2] : memref<1024xf32, #tpu.memory_space<hbm>> -> memref<32xf32, #tpu.memory_space<hbm>>
      %dma_start3A_73 = tpu.memref_slice %arg4[%mul3A_2] : memref<1024xf32, #tpu.memory_space<hbm>> -> memref<32xf32, #tpu.memory_space<hbm>>
      tpu.enqueue_dma source(%arg6 : memref<32xf32, #tpu.memory_space<vmem>>) target(%dma_start3A_73 : memref<32xf32, #tpu.memory_space<hbm>>) target_semaphore(%run_scoped3A : memref<!tpu.dma_semaphore, #tpu.memory_space<semaphore_mem>>)
      %dma_wait3A_74 = tpu.memref_slice %arg4[%mul3A_2] : memref<1024xf32, #tpu.memory_space<hbm>> -> memref<32xf32, #tpu.memory_space<hbm>>
      %dma_wait3A_75 = tpu.memref_slice %arg4[%mul3A_2] : memref<1024xf32, #tpu.memory_space<hbm>> -> memref<32xf32, #tpu.memory_space<hbm>>
      tpu.wait_dma2 semaphore(%run_scoped3A : memref<!tpu.dma_semaphore, #tpu.memory_space<semaphore_mem>>) src(%arg6 : memref<32xf32, #tpu.memory_space<vmem>>) dst(%dma_wait3A_75 : memref<32xf32, #tpu.memory_space<hbm>>)
      tpu.yield
    }) : () -> ()
    return
  }
}

module attributes {stable_mosaic.version = 14 : i64} {
  func.func @_combine_kernel(%arg0: memref<16x1024xf32, #tpu.memory_space<vmem>>, %arg1: memref<1x1024xf32, #tpu.memory_space<vmem>>, %arg2: memref<1x1024xf32, #tpu.memory_space<vmem>>, %arg3: memref<1x1xf32, #tpu.memory_space<vmem>>) attributes {dimension_semantics = [], scalar_prefetch = 0 : i64, scratch_operands = 0 : i64, tpu.core_type = #tpu.core_type<tc>} {
    %get3A = arith.constant 0 : index
    %get3A_0 = arith.constant 0 : index
    %get3A_1 = vector.load %arg0[%get3A, %get3A_0] : memref<16x1024xf32, #tpu.memory_space<vmem>>, vector<16x1024xf32>
    %reduce_sum3A = arith.constant dense<0.000000e+00> : vector<1024xf32>
    %reduce_sum3A_2 = vector.multi_reduction <add>, %get3A_1, %reduce_sum3A [0] : vector<16x1024xf32> to vector<1024xf32>
    %broadcast_in_dim3A = vector.shape_cast %reduce_sum3A_2 : vector<1024xf32> to vector<1x1024xf32>
    %get3A_3 = arith.constant 0 : index
    %get3A_4 = arith.constant 0 : index
    %get3A_5 = vector.load %arg1[%get3A_3, %get3A_4] : memref<1x1024xf32, #tpu.memory_space<vmem>>, vector<1x1024xf32>
    %jit3A = arith.constant -1.000000e+00 : f32
    %jit3A_6 = arith.constant 1.000000e+00 : f32
    %max3A = vector.broadcast %jit3A : f32 to vector<1x1024xf32>
    %max3A_7 = arith.maximumf %max3A, %get3A_5 : vector<1x1024xf32>
    %min3A = vector.broadcast %jit3A_6 : f32 to vector<1x1024xf32>
    %min3A_8 = arith.minimumf %min3A, %max3A_7 : vector<1x1024xf32>
    %get3A_9 = arith.constant 0 : index
    %get3A_10 = arith.constant 0 : index
    %get3A_11 = vector.load %arg2[%get3A_9, %get3A_10] : memref<1x1024xf32, #tpu.memory_space<vmem>>, vector<1x1024xf32>
    %mul3A = arith.mulf %min3A_8, %min3A_8 : vector<1x1024xf32>
    %sub3A = arith.constant 1.000000e+00 : f32
    %sub3A_12 = vector.broadcast %sub3A : f32 to vector<1x1024xf32>
    %sub3A_13 = arith.subf %sub3A_12, %mul3A : vector<1x1024xf32>
    %max3A_14 = arith.constant 0.000000e+00 : f32
    %max3A_15 = vector.broadcast %max3A_14 : f32 to vector<1x1024xf32>
    %max3A_16 = arith.maximumf %sub3A_13, %max3A_15 : vector<1x1024xf32>
    %sqrt3A = math.sqrt %max3A_16 : vector<1x1024xf32>
    %cos3A = math.cos %get3A_11 : vector<1x1024xf32>
    %mul3A_17 = arith.mulf %min3A_8, %cos3A : vector<1x1024xf32>
    %sin3A = math.sin %get3A_11 : vector<1x1024xf32>
    %mul3A_18 = arith.mulf %sqrt3A, %sin3A : vector<1x1024xf32>
    %sub3A_19 = arith.subf %mul3A_17, %mul3A_18 : vector<1x1024xf32>
    %mul3A_20 = arith.constant 6.400000e+01 : f32
    %mul3A_21 = vector.broadcast %mul3A_20 : f32 to vector<1x1024xf32>
    %mul3A_22 = arith.mulf %mul3A_21, %sub3A_19 : vector<1x1024xf32>
    %exp3A = math.exp %mul3A_22 : vector<1x1024xf32>
    %mul3A_23 = arith.constant 6.400000e+01 : f32
    %mul3A_24 = vector.broadcast %mul3A_23 : f32 to vector<1x1024xf32>
    %mul3A_25 = arith.mulf %mul3A_24, %min3A_8 : vector<1x1024xf32>
    %exp3A_26 = math.exp %mul3A_25 : vector<1x1024xf32>
    %sub3A_27 = arith.subf %broadcast_in_dim3A, %exp3A_26 : vector<1x1024xf32>
    %add3A = arith.addf %sub3A_27, %exp3A : vector<1x1024xf32>
    %max3A_28 = arith.maximumf %add3A, %exp3A : vector<1x1024xf32>
    %log3A = math.log %max3A_28 : vector<1x1024xf32>
    %sub3A_29 = arith.subf %log3A, %mul3A_22 : vector<1x1024xf32>
    %reduce_sum3A_30 = vector.shape_cast %sub3A_29 : vector<1x1024xf32> to vector<1x1x1024xf32>
    %reduce_sum3A_31 = arith.constant dense<0.000000e+00> : vector<1xf32>
    %reduce_sum3A_32 = vector.multi_reduction <add>, %reduce_sum3A_30, %reduce_sum3A_31 [1, 2] : vector<1x1x1024xf32> to vector<1xf32>
    %reduce_sum3A_33 = vector.shape_cast %reduce_sum3A_32 : vector<1xf32> to vector<1x1x1xf32>
    %reduce_sum3A_34 = vector.extract %reduce_sum3A_33[0, 0, 0] : f32 from vector<1x1x1xf32>
    %div3A = arith.constant 1.024000e+03 : f32
    %div3A_35 = arith.divf %reduce_sum3A_34, %div3A : f32
    %broadcast_in_dim3A_36 = vector.broadcast %div3A_35 : f32 to vector<1x1xf32>
    %swap3A = arith.constant 0 : index
    %swap3A_37 = arith.constant 0 : index
    %swap3A_38 = vector.load %arg3[%swap3A, %swap3A_37] : memref<1x1xf32, #tpu.memory_space<vmem>>, vector<1x1xf32>
    tpu.vector_store %arg3[%swap3A, %swap3A_37], %broadcast_in_dim3A_36 {strides = array<i32>} : memref<1x1xf32, #tpu.memory_space<vmem>>, vector<1x1xf32>,
    return
  }
}

module attributes {stable_mosaic.version = 14 : i64} {
  func.func @_sumexp_kernel(%arg0: i32, %arg1: i32, %arg2: memref<2000x512xf32, #tpu.memory_space<vmem>>, %arg3: memref<2000x512xf32, #tpu.memory_space<vmem>>, %arg4: memref<8x1024xf32, #tpu.memory_space<vmem>>) attributes {dimension_semantics = [#tpu.dimension_semantics<parallel>, #tpu.dimension_semantics<arbitrary>], iteration_bounds = array<i64: 2, 25>, scalar_prefetch = 0 : i64, scratch_operands = 0 : i64, tpu.core_type = #tpu.core_type<tc>, window_params = [{transform_indices = @transform_0, window_bounds = array<i64: 2000, 512>}, {transform_indices = @transform_1, window_bounds = array<i64: 2000, 512>}, {transform_indices = @transform_2, window_bounds = array<i64: 8, 1024>}]} {
    %eq3A = arith.constant 0 : i32
    %eq3A_0 = arith.cmpi eq, %arg1, %eq3A : i32
    %convert_element_type3A = arith.extui %eq3A_0 : i1 to i32
    %cond3A = arith.constant 0 : i32
    %cond3A_1 = arith.cmpi ne, %convert_element_type3A, %cond3A : i32
    scf.if %cond3A_1 {
      %broadcast_in_dim3A = arith.constant 0.000000e+00 : f32
      %broadcast_in_dim3A_1148 = vector.broadcast %broadcast_in_dim3A : f32 to vector<8x1024xf32>
      %swap3A_1149 = arith.constant 0 : index
      %swap3A_1150 = arith.constant 0 : index
      %swap3A_1151 = vector.load %arg4[%swap3A_1149, %swap3A_1150] : memref<8x1024xf32, #tpu.memory_space<vmem>>, vector<8x1024xf32>
      tpu.vector_store %arg4[%swap3A_1149, %swap3A_1150], %broadcast_in_dim3A_1148 {strides = array<i32>} : memref<8x1024xf32, #tpu.memory_space<vmem>>, vector<8x1024xf32>,
    } else {
    }
    %get3A = arith.constant 0 : index
    %get3A_2 = arith.constant 0 : index
    %get3A_3 = vector.load %arg4[%get3A, %get3A_2] : memref<8x1024xf32, #tpu.memory_space<vmem>>, vector<8x512xf32>
    %get3A_4 = arith.constant 0 : index
    %get3A_5 = arith.constant 512 : index
    %get3A_6 = vector.load %arg4[%get3A_4, %get3A_5] : memref<8x1024xf32, #tpu.memory_space<vmem>>, vector<8x512xf32>
    %get3A_7 = arith.constant 0 : index
    %get3A_8 = arith.constant 0 : index
    %get3A_9 = vector.load %arg2[%get3A_7, %get3A_8] : memref<2000x512xf32, #tpu.memory_space<vmem>>, vector<200x512xf32>
    %get3A_10 = arith.constant 0 : index
    %get3A_11 = arith.constant 0 : index
    %get3A_12 = vector.load %arg3[%get3A_10, %get3A_11] : memref<2000x512xf32, #tpu.memory_space<vmem>>, vector<200x512xf32>
    %mul3A = arith.constant 6.400000e+01 : f32
    %mul3A_13 = vector.broadcast %mul3A : f32 to vector<200x512xf32>
    %mul3A_14 = arith.mulf %get3A_9, %mul3A_13 : vector<200x512xf32>
    %exp3A = math.exp %mul3A_14 : vector<200x512xf32>
    %mul3A_15 = arith.constant 6.400000e+01 : f32
    %mul3A_16 = vector.broadcast %mul3A_15 : f32 to vector<200x512xf32>
    %mul3A_17 = arith.mulf %get3A_12, %mul3A_16 : vector<200x512xf32>
    %exp3A_18 = math.exp %mul3A_17 : vector<200x512xf32>
    %slice3A = vector.extract_strided_slice %exp3A {offsets = [0, 0], sizes = [8, 512], strides = [1, 1]} : vector<200x512xf32> to vector<8x512xf32>
    %add3A = arith.addf %get3A_3, %slice3A : vector<8x512xf32>
    %slice3A_19 = vector.extract_strided_slice %exp3A_18 {offsets = [0, 0], sizes = [8, 512], strides = [1, 1]} : vector<200x512xf32> to vector<8x512xf32>
    %add3A_20 = arith.addf %get3A_6, %slice3A_19 : vector<8x512xf32>
    %slice3A_21 = vector.extract_strided_slice %exp3A {offsets = [8, 0], sizes = [8, 512], strides = [1, 1]} : vector<200x512xf32> to vector<8x512xf32>
    %add3A_22 = arith.addf %add3A, %slice3A_21 : vector<8x512xf32>
    %slice3A_23 = vector.extract_strided_slice %exp3A_18 {offsets = [8, 0], sizes = [8, 512], strides = [1, 1]} : vector<200x512xf32> to vector<8x512xf32>
    %add3A_24 = arith.addf %add3A_20, %slice3A_23 : vector<8x512xf32>
    %slice3A_25 = vector.extract_strided_slice %exp3A {offsets = [16, 0], sizes = [8, 512], strides = [1, 1]} : vector<200x512xf32> to vector<8x512xf32>
    %add3A_26 = arith.addf %add3A_22, %slice3A_25 : vector<8x512xf32>
    %slice3A_27 = vector.extract_strided_slice %exp3A_18 {offsets = [16, 0], sizes = [8, 512], strides = [1, 1]} : vector<200x512xf32> to vector<8x512xf32>
    %add3A_28 = arith.addf %add3A_24, %slice3A_27 : vector<8x512xf32>
    %slice3A_29 = vector.extract_strided_slice %exp3A {offsets = [24, 0], sizes = [8, 512], strides = [1, 1]} : vector<200x512xf32> to vector<8x512xf32>
    %add3A_30 = arith.addf %add3A_26, %slice3A_29 : vector<8x512xf32>
    %slice3A_31 = vector.extract_strided_slice %exp3A_18 {offsets = [24, 0], sizes = [8, 512], strides = [1, 1]} : vector<200x512xf32> to vector<8x512xf32>
    %add3A_32 = arith.addf %add3A_28, %slice3A_31 : vector<8x512xf32>
    %slice3A_33 = vector.extract_strided_slice %exp3A {offsets = [32, 0], sizes = [8, 512], strides = [1, 1]} : vector<200x512xf32> to vector<8x512xf32>
    %add3A_34 = arith.addf %add3A_30, %slice3A_33 : vector<8x512xf32>
    %slice3A_35 = vector.extract_strided_slice %exp3A_18 {offsets = [32, 0], sizes = [8, 512], strides = [1, 1]} : vector<200x512xf32> to vector<8x512xf32>
    %add3A_36 = arith.addf %add3A_32, %slice3A_35 : vector<8x512xf32>
    %slice3A_37 = vector.extract_strided_slice %exp3A {offsets = [40, 0], sizes = [8, 512], strides = [1, 1]} : vector<200x512xf32> to vector<8x512xf32>
    %add3A_38 = arith.addf %add3A_34, %slice3A_37 : vector<8x512xf32>
    %slice3A_39 = vector.extract_strided_slice %exp3A_18 {offsets = [40, 0], sizes = [8, 512], strides = [1, 1]} : vector<200x512xf32> to vector<8x512xf32>
    %add3A_40 = arith.addf %add3A_36, %slice3A_39 : vector<8x512xf32>
    %slice3A_41 = vector.extract_strided_slice %exp3A {offsets = [48, 0], sizes = [8, 512], strides = [1, 1]} : vector<200x512xf32> to vector<8x512xf32>
    %add3A_42 = arith.addf %add3A_38, %slice3A_41 : vector<8x512xf32>
    %slice3A_43 = vector.extract_strided_slice %exp3A_18 {offsets = [48, 0], sizes = [8, 512], strides = [1, 1]} : vector<200x512xf32> to vector<8x512xf32>
    %add3A_44 = arith.addf %add3A_40, %slice3A_43 : vector<8x512xf32>
    %slice3A_45 = vector.extract_strided_slice %exp3A {offsets = [56, 0], sizes = [8, 512], strides = [1, 1]} : vector<200x512xf32> to vector<8x512xf32>
    %add3A_46 = arith.addf %add3A_42, %slice3A_45 : vector<8x512xf32>
    %slice3A_47 = vector.extract_strided_slice %exp3A_18 {offsets = [56, 0], sizes = [8, 512], strides = [1, 1]} : vector<200x512xf32> to vector<8x512xf32>
    %add3A_48 = arith.addf %add3A_44, %slice3A_47 : vector<8x512xf32>
    %slice3A_49 = vector.extract_strided_slice %exp3A {offsets = [64, 0], sizes = [8, 512], strides = [1, 1]} : vector<200x512xf32> to vector<8x512xf32>
    %add3A_50 = arith.addf %add3A_46, %slice3A_49 : vector<8x512xf32>
    %slice3A_51 = vector.extract_strided_slice %exp3A_18 {offsets = [64, 0], sizes = [8, 512], strides = [1, 1]} : vector<200x512xf32> to vector<8x512xf32>
    %add3A_52 = arith.addf %add3A_48, %slice3A_51 : vector<8x512xf32>
    %slice3A_53 = vector.extract_strided_slice %exp3A {offsets = [72, 0], sizes = [8, 512], strides = [1, 1]} : vector<200x512xf32> to vector<8x512xf32>
    %add3A_54 = arith.addf %add3A_50, %slice3A_53 : vector<8x512xf32>
    %slice3A_55 = vector.extract_strided_slice %exp3A_18 {offsets = [72, 0], sizes = [8, 512], strides = [1, 1]} : vector<200x512xf32> to vector<8x512xf32>
    %add3A_56 = arith.addf %add3A_52, %slice3A_55 : vector<8x512xf32>
    %slice3A_57 = vector.extract_strided_slice %exp3A {offsets = [80, 0], sizes = [8, 512], strides = [1, 1]} : vector<200x512xf32> to vector<8x512xf32>
    %add3A_58 = arith.addf %add3A_54, %slice3A_57 : vector<8x512xf32>
    %slice3A_59 = vector.extract_strided_slice %exp3A_18 {offsets = [80, 0], sizes = [8, 512], strides = [1, 1]} : vector<200x512xf32> to vector<8x512xf32>
    %add3A_60 = arith.addf %add3A_56, %slice3A_59 : vector<8x512xf32>
    %slice3A_61 = vector.extract_strided_slice %exp3A {offsets = [88, 0], sizes = [8, 512], strides = [1, 1]} : vector<200x512xf32> to vector<8x512xf32>
    %add3A_62 = arith.addf %add3A_58, %slice3A_61 : vector<8x512xf32>
    %slice3A_63 = vector.extract_strided_slice %exp3A_18 {offsets = [88, 0], sizes = [8, 512], strides = [1, 1]} : vector<200x512xf32> to vector<8x512xf32>
    %add3A_64 = arith.addf %add3A_60, %slice3A_63 : vector<8x512xf32>
    %slice3A_65 = vector.extract_strided_slice %exp3A {offsets = [96, 0], sizes = [8, 512], strides = [1, 1]} : vector<200x512xf32> to vector<8x512xf32>
    %add3A_66 = arith.addf %add3A_62, %slice3A_65 : vector<8x512xf32>
    %slice3A_67 = vector.extract_strided_slice %exp3A_18 {offsets = [96, 0], sizes = [8, 512], strides = [1, 1]} : vector<200x512xf32> to vector<8x512xf32>
    %add3A_68 = arith.addf %add3A_64, %slice3A_67 : vector<8x512xf32>
    %slice3A_69 = vector.extract_strided_slice %exp3A {offsets = [104, 0], sizes = [8, 512], strides = [1, 1]} : vector<200x512xf32> to vector<8x512xf32>
    %add3A_70 = arith.addf %add3A_66, %slice3A_69 : vector<8x512xf32>
    %slice3A_71 = vector.extract_strided_slice %exp3A_18 {offsets = [104, 0], sizes = [8, 512], strides = [1, 1]} : vector<200x512xf32> to vector<8x512xf32>
    %add3A_72 = arith.addf %add3A_68, %slice3A_71 : vector<8x512xf32>
    %slice3A_73 = vector.extract_strided_slice %exp3A {offsets = [112, 0], sizes = [8, 512], strides = [1, 1]} : vector<200x512xf32> to vector<8x512xf32>
    %add3A_74 = arith.addf %add3A_70, %slice3A_73 : vector<8x512xf32>
    %slice3A_75 = vector.extract_strided_slice %exp3A_18 {offsets = [112, 0], sizes = [8, 512], strides = [1, 1]} : vector<200x512xf32> to vector<8x512xf32>
    %add3A_76 = arith.addf %add3A_72, %slice3A_75 : vector<8x512xf32>
    %slice3A_77 = vector.extract_strided_slice %exp3A {offsets = [120, 0], sizes = [8, 512], strides = [1, 1]} : vector<200x512xf32> to vector<8x512xf32>
    %add3A_78 = arith.addf %add3A_74, %slice3A_77 : vector<8x512xf32>
    %slice3A_79 = vector.extract_strided_slice %exp3A_18 {offsets = [120, 0], sizes = [8, 512], strides = [1, 1]} : vector<200x512xf32> to vector<8x512xf32>
    %add3A_80 = arith.addf %add3A_76, %slice3A_79 : vector<8x512xf32>
    %slice3A_81 = vector.extract_strided_slice %exp3A {offsets = [128, 0], sizes = [8, 512], strides = [1, 1]} : vector<200x512xf32> to vector<8x512xf32>
    %add3A_82 = arith.addf %add3A_78, %slice3A_81 : vector<8x512xf32>
    %slice3A_83 = vector.extract_strided_slice %exp3A_18 {offsets = [128, 0], sizes = [8, 512], strides = [1, 1]} : vector<200x512xf32> to vector<8x512xf32>
    %add3A_84 = arith.addf %add3A_80, %slice3A_83 : vector<8x512xf32>
    %slice3A_85 = vector.extract_strided_slice %exp3A {offsets = [136, 0], sizes = [8, 512], strides = [1, 1]} : vector<200x512xf32> to vector<8x512xf32>
    %add3A_86 = arith.addf %add3A_82, %slice3A_85 : vector<8x512xf32>
    %slice3A_87 = vector.extract_strided_slice %exp3A_18 {offsets = [136, 0], sizes = [8, 512], strides = [1, 1]} : vector<200x512xf32> to vector<8x512xf32>
    %add3A_88 = arith.addf %add3A_84, %slice3A_87 : vector<8x512xf32>
    %slice3A_89 = vector.extract_strided_slice %exp3A {offsets = [144, 0], sizes = [8, 512], strides = [1, 1]} : vector<200x512xf32> to vector<8x512xf32>
    %add3A_90 = arith.addf %add3A_86, %slice3A_89 : vector<8x512xf32>
    %slice3A_91 = vector.extract_strided_slice %exp3A_18 {offsets = [144, 0], sizes = [8, 512], strides = [1, 1]} : vector<200x512xf32> to vector<8x512xf32>
    %add3A_92 = arith.addf %add3A_88, %slice3A_91 : vector<8x512xf32>
    %slice3A_93 = vector.extract_strided_slice %exp3A {offsets = [152, 0], sizes = [8, 512], strides = [1, 1]} : vector<200x512xf32> to vector<8x512xf32>
    %add3A_94 = arith.addf %add3A_90, %slice3A_93 : vector<8x512xf32>
    %slice3A_95 = vector.extract_strided_slice %exp3A_18 {offsets = [152, 0], sizes = [8, 512], strides = [1, 1]} : vector<200x512xf32> to vector<8x512xf32>
    %add3A_96 = arith.addf %add3A_92, %slice3A_95 : vector<8x512xf32>
    %slice3A_97 = vector.extract_strided_slice %exp3A {offsets = [160, 0], sizes = [8, 512], strides = [1, 1]} : vector<200x512xf32> to vector<8x512xf32>
    %add3A_98 = arith.addf %add3A_94, %slice3A_97 : vector<8x512xf32>
    %slice3A_99 = vector.extract_strided_slice %exp3A_18 {offsets = [160, 0], sizes = [8, 512], strides = [1, 1]} : vector<200x512xf32> to vector<8x512xf32>
    %add3A_100 = arith.addf %add3A_96, %slice3A_99 : vector<8x512xf32>
    %slice3A_101 = vector.extract_strided_slice %exp3A {offsets = [168, 0], sizes = [8, 512], strides = [1, 1]} : vector<200x512xf32> to vector<8x512xf32>
    %add3A_102 = arith.addf %add3A_98, %slice3A_101 : vector<8x512xf32>
    %slice3A_103 = vector.extract_strided_slice %exp3A_18 {offsets = [168, 0], sizes = [8, 512], strides = [1, 1]} : vector<200x512xf32> to vector<8x512xf32>
    %add3A_104 = arith.addf %add3A_100, %slice3A_103 : vector<8x512xf32>
    %slice3A_105 = vector.extract_strided_slice %exp3A {offsets = [176, 0], sizes = [8, 512], strides = [1, 1]} : vector<200x512xf32> to vector<8x512xf32>
    %add3A_106 = arith.addf %add3A_102, %slice3A_105 : vector<8x512xf32>
    %slice3A_107 = vector.extract_strided_slice %exp3A_18 {offsets = [176, 0], sizes = [8, 512], strides = [1, 1]} : vector<200x512xf32> to vector<8x512xf32>
    %add3A_108 = arith.addf %add3A_104, %slice3A_107 : vector<8x512xf32>
    %slice3A_109 = vector.extract_strided_slice %exp3A {offsets = [184, 0], sizes = [8, 512], strides = [1, 1]} : vector<200x512xf32> to vector<8x512xf32>
    %add3A_110 = arith.addf %add3A_106, %slice3A_109 : vector<8x512xf32>
    %slice3A_111 = vector.extract_strided_slice %exp3A_18 {offsets = [184, 0], sizes = [8, 512], strides = [1, 1]} : vector<200x512xf32> to vector<8x512xf32>
    %add3A_112 = arith.addf %add3A_108, %slice3A_111 : vector<8x512xf32>
    %slice3A_113 = vector.extract_strided_slice %exp3A {offsets = [192, 0], sizes = [8, 512], strides = [1, 1]} : vector<200x512xf32> to vector<8x512xf32>
    %add3A_114 = arith.addf %add3A_110, %slice3A_113 : vector<8x512xf32>
    %slice3A_115 = vector.extract_strided_slice %exp3A_18 {offsets = [192, 0], sizes = [8, 512], strides = [1, 1]} : vector<200x512xf32> to vector<8x512xf32>
    %add3A_116 = arith.addf %add3A_112, %slice3A_115 : vector<8x512xf32>
    %get3A_117 = arith.constant 200 : index
    %get3A_118 = arith.constant 0 : index
    %get3A_119 = vector.load %arg2[%get3A_117, %get3A_118] : memref<2000x512xf32, #tpu.memory_space<vmem>>, vector<200x512xf32>
    %get3A_120 = arith.constant 200 : index
    %get3A_121 = arith.constant 0 : index
    %get3A_122 = vector.load %arg3[%get3A_120, %get3A_121] : memref<2000x512xf32, #tpu.memory_space<vmem>>, vector<200x512xf32>
    %mul3A_123 = arith.constant 6.400000e+01 : f32
    %mul3A_124 = vector.broadcast %mul3A_123 : f32 to vector<200x512xf32>
    %mul3A_125 = arith.mulf %get3A_119, %mul3A_124 : vector<200x512xf32>
    %exp3A_126 = math.exp %mul3A_125 : vector<200x512xf32>
    %mul3A_127 = arith.constant 6.400000e+01 : f32
    %mul3A_128 = vector.broadcast %mul3A_127 : f32 to vector<200x512xf32>
    %mul3A_129 = arith.mulf %get3A_122, %mul3A_128 : vector<200x512xf32>
    %exp3A_130 = math.exp %mul3A_129 : vector<200x512xf32>
    %slice3A_131 = vector.extract_strided_slice %exp3A_126 {offsets = [0, 0], sizes = [8, 512], strides = [1, 1]} : vector<200x512xf32> to vector<8x512xf32>
    %add3A_132 = arith.addf %add3A_114, %slice3A_131 : vector<8x512xf32>
    %slice3A_133 = vector.extract_strided_slice %exp3A_130 {offsets = [0, 0], sizes = [8, 512], strides = [1, 1]} : vector<200x512xf32> to vector<8x512xf32>
    %add3A_134 = arith.addf %add3A_116, %slice3A_133 : vector<8x512xf32>
    %slice3A_135 = vector.extract_strided_slice %exp3A_126 {offsets = [8, 0], sizes = [8, 512], strides = [1, 1]} : vector<200x512xf32> to vector<8x512xf32>
    %add3A_136 = arith.addf %add3A_132, %slice3A_135 : vector<8x512xf32>
    %slice3A_137 = vector.extract_strided_slice %exp3A_130 {offsets = [8, 0], sizes = [8, 512], strides = [1, 1]} : vector<200x512xf32> to vector<8x512xf32>
    %add3A_138 = arith.addf %add3A_134, %slice3A_137 : vector<8x512xf32>
    %slice3A_139 = vector.extract_strided_slice %exp3A_126 {offsets = [16, 0], sizes = [8, 512], strides = [1, 1]} : vector<200x512xf32> to vector<8x512xf32>
    %add3A_140 = arith.addf %add3A_136, %slice3A_139 : vector<8x512xf32>
    %slice3A_141 = vector.extract_strided_slice %exp3A_130 {offsets = [16, 0], sizes = [8, 512], strides = [1, 1]} : vector<200x512xf32> to vector<8x512xf32>
    %add3A_142 = arith.addf %add3A_138, %slice3A_141 : vector<8x512xf32>
    %slice3A_143 = vector.extract_strided_slice %exp3A_126 {offsets = [24, 0], sizes = [8, 512], strides = [1, 1]} : vector<200x512xf32> to vector<8x512xf32>
    %add3A_144 = arith.addf %add3A_140, %slice3A_143 : vector<8x512xf32>
    %slice3A_145 = vector.extract_strided_slice %exp3A_130 {offsets = [24, 0], sizes = [8, 512], strides = [1, 1]} : vector<200x512xf32> to vector<8x512xf32>
    %add3A_146 = arith.addf %add3A_142, %slice3A_145 : vector<8x512xf32>
    %slice3A_147 = vector.extract_strided_slice %exp3A_126 {offsets = [32, 0], sizes = [8, 512], strides = [1, 1]} : vector<200x512xf32> to vector<8x512xf32>
    %add3A_148 = arith.addf %add3A_144, %slice3A_147 : vector<8x512xf32>
    %slice3A_149 = vector.extract_strided_slice %exp3A_130 {offsets = [32, 0], sizes = [8, 512], strides = [1, 1]} : vector<200x512xf32> to vector<8x512xf32>
    %add3A_150 = arith.addf %add3A_146, %slice3A_149 : vector<8x512xf32>
    %slice3A_151 = vector.extract_strided_slice %exp3A_126 {offsets = [40, 0], sizes = [8, 512], strides = [1, 1]} : vector<200x512xf32> to vector<8x512xf32>
    %add3A_152 = arith.addf %add3A_148, %slice3A_151 : vector<8x512xf32>
    %slice3A_153 = vector.extract_strided_slice %exp3A_130 {offsets = [40, 0], sizes = [8, 512], strides = [1, 1]} : vector<200x512xf32> to vector<8x512xf32>
    %add3A_154 = arith.addf %add3A_150, %slice3A_153 : vector<8x512xf32>
    %slice3A_155 = vector.extract_strided_slice %exp3A_126 {offsets = [48, 0], sizes = [8, 512], strides = [1, 1]} : vector<200x512xf32> to vector<8x512xf32>
    %add3A_156 = arith.addf %add3A_152, %slice3A_155 : vector<8x512xf32>
    %slice3A_157 = vector.extract_strided_slice %exp3A_130 {offsets = [48, 0], sizes = [8, 512], strides = [1, 1]} : vector<200x512xf32> to vector<8x512xf32>
    %add3A_158 = arith.addf %add3A_154, %slice3A_157 : vector<8x512xf32>
    %slice3A_159 = vector.extract_strided_slice %exp3A_126 {offsets = [56, 0], sizes = [8, 512], strides = [1, 1]} : vector<200x512xf32> to vector<8x512xf32>
    %add3A_160 = arith.addf %add3A_156, %slice3A_159 : vector<8x512xf32>
    %slice3A_161 = vector.extract_strided_slice %exp3A_130 {offsets = [56, 0], sizes = [8, 512], strides = [1, 1]} : vector<200x512xf32> to vector<8x512xf32>
    %add3A_162 = arith.addf %add3A_158, %slice3A_161 : vector<8x512xf32>
    %slice3A_163 = vector.extract_strided_slice %exp3A_126 {offsets = [64, 0], sizes = [8, 512], strides = [1, 1]} : vector<200x512xf32> to vector<8x512xf32>
    %add3A_164 = arith.addf %add3A_160, %slice3A_163 : vector<8x512xf32>
    %slice3A_165 = vector.extract_strided_slice %exp3A_130 {offsets = [64, 0], sizes = [8, 512], strides = [1, 1]} : vector<200x512xf32> to vector<8x512xf32>
    %add3A_166 = arith.addf %add3A_162, %slice3A_165 : vector<8x512xf32>
    %slice3A_167 = vector.extract_strided_slice %exp3A_126 {offsets = [72, 0], sizes = [8, 512], strides = [1, 1]} : vector<200x512xf32> to vector<8x512xf32>
    %add3A_168 = arith.addf %add3A_164, %slice3A_167 : vector<8x512xf32>
    %slice3A_169 = vector.extract_strided_slice %exp3A_130 {offsets = [72, 0], sizes = [8, 512], strides = [1, 1]} : vector<200x512xf32> to vector<8x512xf32>
    %add3A_170 = arith.addf %add3A_166, %slice3A_169 : vector<8x512xf32>
    %slice3A_171 = vector.extract_strided_slice %exp3A_126 {offsets = [80, 0], sizes = [8, 512], strides = [1, 1]} : vector<200x512xf32> to vector<8x512xf32>
    %add3A_172 = arith.addf %add3A_168, %slice3A_171 : vector<8x512xf32>
    %slice3A_173 = vector.extract_strided_slice %exp3A_130 {offsets = [80, 0], sizes = [8, 512], strides = [1, 1]} : vector<200x512xf32> to vector<8x512xf32>
    %add3A_174 = arith.addf %add3A_170, %slice3A_173 : vector<8x512xf32>
    %slice3A_175 = vector.extract_strided_slice %exp3A_126 {offsets = [88, 0], sizes = [8, 512], strides = [1, 1]} : vector<200x512xf32> to vector<8x512xf32>
    %add3A_176 = arith.addf %add3A_172, %slice3A_175 : vector<8x512xf32>
    %slice3A_177 = vector.extract_strided_slice %exp3A_130 {offsets = [88, 0], sizes = [8, 512], strides = [1, 1]} : vector<200x512xf32> to vector<8x512xf32>
    %add3A_178 = arith.addf %add3A_174, %slice3A_177 : vector<8x512xf32>
    %slice3A_179 = vector.extract_strided_slice %exp3A_126 {offsets = [96, 0], sizes = [8, 512], strides = [1, 1]} : vector<200x512xf32> to vector<8x512xf32>
    %add3A_180 = arith.addf %add3A_176, %slice3A_179 : vector<8x512xf32>
    %slice3A_181 = vector.extract_strided_slice %exp3A_130 {offsets = [96, 0], sizes = [8, 512], strides = [1, 1]} : vector<200x512xf32> to vector<8x512xf32>
    %add3A_182 = arith.addf %add3A_178, %slice3A_181 : vector<8x512xf32>
    %slice3A_183 = vector.extract_strided_slice %exp3A_126 {offsets = [104, 0], sizes = [8, 512], strides = [1, 1]} : vector<200x512xf32> to vector<8x512xf32>
    %add3A_184 = arith.addf %add3A_180, %slice3A_183 : vector<8x512xf32>
    %slice3A_185 = vector.extract_strided_slice %exp3A_130 {offsets = [104, 0], sizes = [8, 512], strides = [1, 1]} : vector<200x512xf32> to vector<8x512xf32>
    %add3A_186 = arith.addf %add3A_182, %slice3A_185 : vector<8x512xf32>
    %slice3A_187 = vector.extract_strided_slice %exp3A_126 {offsets = [112, 0], sizes = [8, 512], strides = [1, 1]} : vector<200x512xf32> to vector<8x512xf32>
    %add3A_188 = arith.addf %add3A_184, %slice3A_187 : vector<8x512xf32>
    %slice3A_189 = vector.extract_strided_slice %exp3A_130 {offsets = [112, 0], sizes = [8, 512], strides = [1, 1]} : vector<200x512xf32> to vector<8x512xf32>
    %add3A_190 = arith.addf %add3A_186, %slice3A_189 : vector<8x512xf32>
    %slice3A_191 = vector.extract_strided_slice %exp3A_126 {offsets = [120, 0], sizes = [8, 512], strides = [1, 1]} : vector<200x512xf32> to vector<8x512xf32>
    %add3A_192 = arith.addf %add3A_188, %slice3A_191 : vector<8x512xf32>
    %slice3A_193 = vector.extract_strided_slice %exp3A_130 {offsets = [120, 0], sizes = [8, 512], strides = [1, 1]} : vector<200x512xf32> to vector<8x512xf32>
    %add3A_194 = arith.addf %add3A_190, %slice3A_193 : vector<8x512xf32>
    %slice3A_195 = vector.extract_strided_slice %exp3A_126 {offsets = [128, 0], sizes = [8, 512], strides = [1, 1]} : vector<200x512xf32> to vector<8x512xf32>
    %add3A_196 = arith.addf %add3A_192, %slice3A_195 : vector<8x512xf32>
    %slice3A_197 = vector.extract_strided_slice %exp3A_130 {offsets = [128, 0], sizes = [8, 512], strides = [1, 1]} : vector<200x512xf32> to vector<8x512xf32>
    %add3A_198 = arith.addf %add3A_194, %slice3A_197 : vector<8x512xf32>
    %slice3A_199 = vector.extract_strided_slice %exp3A_126 {offsets = [136, 0], sizes = [8, 512], strides = [1, 1]} : vector<200x512xf32> to vector<8x512xf32>
    %add3A_200 = arith.addf %add3A_196, %slice3A_199 : vector<8x512xf32>
    %slice3A_201 = vector.extract_strided_slice %exp3A_130 {offsets = [136, 0], sizes = [8, 512], strides = [1, 1]} : vector<200x512xf32> to vector<8x512xf32>
    %add3A_202 = arith.addf %add3A_198, %slice3A_201 : vector<8x512xf32>
    %slice3A_203 = vector.extract_strided_slice %exp3A_126 {offsets = [144, 0], sizes = [8, 512], strides = [1, 1]} : vector<200x512xf32> to vector<8x512xf32>
    %add3A_204 = arith.addf %add3A_200, %slice3A_203 : vector<8x512xf32>
    %slice3A_205 = vector.extract_strided_slice %exp3A_130 {offsets = [144, 0], sizes = [8, 512], strides = [1, 1]} : vector<200x512xf32> to vector<8x512xf32>
    %add3A_206 = arith.addf %add3A_202, %slice3A_205 : vector<8x512xf32>
    %slice3A_207 = vector.extract_strided_slice %exp3A_126 {offsets = [152, 0], sizes = [8, 512], strides = [1, 1]} : vector<200x512xf32> to vector<8x512xf32>
    %add3A_208 = arith.addf %add3A_204, %slice3A_207 : vector<8x512xf32>
    %slice3A_209 = vector.extract_strided_slice %exp3A_130 {offsets = [152, 0], sizes = [8, 512], strides = [1, 1]} : vector<200x512xf32> to vector<8x512xf32>
    %add3A_210 = arith.addf %add3A_206, %slice3A_209 : vector<8x512xf32>
    %slice3A_211 = vector.extract_strided_slice %exp3A_126 {offsets = [160, 0], sizes = [8, 512], strides = [1, 1]} : vector<200x512xf32> to vector<8x512xf32>
    %add3A_212 = arith.addf %add3A_208, %slice3A_211 : vector<8x512xf32>
    %slice3A_213 = vector.extract_strided_slice %exp3A_130 {offsets = [160, 0], sizes = [8, 512], strides = [1, 1]} : vector<200x512xf32> to vector<8x512xf32>
    %add3A_214 = arith.addf %add3A_210, %slice3A_213 : vector<8x512xf32>
    %slice3A_215 = vector.extract_strided_slice %exp3A_126 {offsets = [168, 0], sizes = [8, 512], strides = [1, 1]} : vector<200x512xf32> to vector<8x512xf32>
    %add3A_216 = arith.addf %add3A_212, %slice3A_215 : vector<8x512xf32>
    %slice3A_217 = vector.extract_strided_slice %exp3A_130 {offsets = [168, 0], sizes = [8, 512], strides = [1, 1]} : vector<200x512xf32> to vector<8x512xf32>
    %add3A_218 = arith.addf %add3A_214, %slice3A_217 : vector<8x512xf32>
    %slice3A_219 = vector.extract_strided_slice %exp3A_126 {offsets = [176, 0], sizes = [8, 512], strides = [1, 1]} : vector<200x512xf32> to vector<8x512xf32>
    %add3A_220 = arith.addf %add3A_216, %slice3A_219 : vector<8x512xf32>
    %slice3A_221 = vector.extract_strided_slice %exp3A_130 {offsets = [176, 0], sizes = [8, 512], strides = [1, 1]} : vector<200x512xf32> to vector<8x512xf32>
    %add3A_222 = arith.addf %add3A_218, %slice3A_221 : vector<8x512xf32>
    %slice3A_223 = vector.extract_strided_slice %exp3A_126 {offsets = [184, 0], sizes = [8, 512], strides = [1, 1]} : vector<200x512xf32> to vector<8x512xf32>
    %add3A_224 = arith.addf %add3A_220, %slice3A_223 : vector<8x512xf32>
    %slice3A_225 = vector.extract_strided_slice %exp3A_130 {offsets = [184, 0], sizes = [8, 512], strides = [1, 1]} : vector<200x512xf32> to vector<8x512xf32>
    %add3A_226 = arith.addf %add3A_222, %slice3A_225 : vector<8x512xf32>
    %slice3A_227 = vector.extract_strided_slice %exp3A_126 {offsets = [192, 0], sizes = [8, 512], strides = [1, 1]} : vector<200x512xf32> to vector<8x512xf32>
    %add3A_228 = arith.addf %add3A_224, %slice3A_227 : vector<8x512xf32>
    %slice3A_229 = vector.extract_strided_slice %exp3A_130 {offsets = [192, 0], sizes = [8, 512], strides = [1, 1]} : vector<200x512xf32> to vector<8x512xf32>
    %add3A_230 = arith.addf %add3A_226, %slice3A_229 : vector<8x512xf32>
    %get3A_231 = arith.constant 400 : index
    %get3A_232 = arith.constant 0 : index
    %get3A_233 = vector.load %arg2[%get3A_231, %get3A_232] : memref<2000x512xf32, #tpu.memory_space<vmem>>, vector<200x512xf32>
    %get3A_234 = arith.constant 400 : index
    %get3A_235 = arith.constant 0 : index
    %get3A_236 = vector.load %arg3[%get3A_234, %get3A_235] : memref<2000x512xf32, #tpu.memory_space<vmem>>, vector<200x512xf32>
    %mul3A_237 = arith.constant 6.400000e+01 : f32
    %mul3A_238 = vector.broadcast %mul3A_237 : f32 to vector<200x512xf32>
    %mul3A_239 = arith.mulf %get3A_233, %mul3A_238 : vector<200x512xf32>
    %exp3A_240 = math.exp %mul3A_239 : vector<200x512xf32>
    %mul3A_241 = arith.constant 6.400000e+01 : f32
    %mul3A_242 = vector.broadcast %mul3A_241 : f32 to vector<200x512xf32>
    %mul3A_243 = arith.mulf %get3A_236, %mul3A_242 : vector<200x512xf32>
    %exp3A_244 = math.exp %mul3A_243 : vector<200x512xf32>
    %slice3A_245 = vector.extract_strided_slice %exp3A_240 {offsets = [0, 0], sizes = [8, 512], strides = [1, 1]} : vector<200x512xf32> to vector<8x512xf32>
    %add3A_246 = arith.addf %add3A_228, %slice3A_245 : vector<8x512xf32>
    %slice3A_247 = vector.extract_strided_slice %exp3A_244 {offsets = [0, 0], sizes = [8, 512], strides = [1, 1]} : vector<200x512xf32> to vector<8x512xf32>
    %add3A_248 = arith.addf %add3A_230, %slice3A_247 : vector<8x512xf32>
    %slice3A_249 = vector.extract_strided_slice %exp3A_240 {offsets = [8, 0], sizes = [8, 512], strides = [1, 1]} : vector<200x512xf32> to vector<8x512xf32>
    %add3A_250 = arith.addf %add3A_246, %slice3A_249 : vector<8x512xf32>
    %slice3A_251 = vector.extract_strided_slice %exp3A_244 {offsets = [8, 0], sizes = [8, 512], strides = [1, 1]} : vector<200x512xf32> to vector<8x512xf32>
    %add3A_252 = arith.addf %add3A_248, %slice3A_251 : vector<8x512xf32>
    %slice3A_253 = vector.extract_strided_slice %exp3A_240 {offsets = [16, 0], sizes = [8, 512], strides = [1, 1]} : vector<200x512xf32> to vector<8x512xf32>
    %add3A_254 = arith.addf %add3A_250, %slice3A_253 : vector<8x512xf32>
    %slice3A_255 = vector.extract_strided_slice %exp3A_244 {offsets = [16, 0], sizes = [8, 512], strides = [1, 1]} : vector<200x512xf32> to vector<8x512xf32>
    %add3A_256 = arith.addf %add3A_252, %slice3A_255 : vector<8x512xf32>
    %slice3A_257 = vector.extract_strided_slice %exp3A_240 {offsets = [24, 0], sizes = [8, 512], strides = [1, 1]} : vector<200x512xf32> to vector<8x512xf32>
    %add3A_258 = arith.addf %add3A_254, %slice3A_257 : vector<8x512xf32>
    %slice3A_259 = vector.extract_strided_slice %exp3A_244 {offsets = [24, 0], sizes = [8, 512], strides = [1, 1]} : vector<200x512xf32> to vector<8x512xf32>
    %add3A_260 = arith.addf %add3A_256, %slice3A_259 : vector<8x512xf32>
    %slice3A_261 = vector.extract_strided_slice %exp3A_240 {offsets = [32, 0], sizes = [8, 512], strides = [1, 1]} : vector<200x512xf32> to vector<8x512xf32>
    %add3A_262 = arith.addf %add3A_258, %slice3A_261 : vector<8x512xf32>
    %slice3A_263 = vector.extract_strided_slice %exp3A_244 {offsets = [32, 0], sizes = [8, 512], strides = [1, 1]} : vector<200x512xf32> to vector<8x512xf32>
    %add3A_264 = arith.addf %add3A_260, %slice3A_263 : vector<8x512xf32>
    %slice3A_265 = vector.extract_strided_slice %exp3A_240 {offsets = [40, 0], sizes = [8, 512], strides = [1, 1]} : vector<200x512xf32> to vector<8x512xf32>
    %add3A_266 = arith.addf %add3A_262, %slice3A_265 : vector<8x512xf32>
    %slice3A_267 = vector.extract_strided_slice %exp3A_244 {offsets = [40, 0], sizes = [8, 512], strides = [1, 1]} : vector<200x512xf32> to vector<8x512xf32>
    %add3A_268 = arith.addf %add3A_264, %slice3A_267 : vector<8x512xf32>
    %slice3A_269 = vector.extract_strided_slice %exp3A_240 {offsets = [48, 0], sizes = [8, 512], strides = [1, 1]} : vector<200x512xf32> to vector<8x512xf32>
    %add3A_270 = arith.addf %add3A_266, %slice3A_269 : vector<8x512xf32>
    %slice3A_271 = vector.extract_strided_slice %exp3A_244 {offsets = [48, 0], sizes = [8, 512], strides = [1, 1]} : vector<200x512xf32> to vector<8x512xf32>
    %add3A_272 = arith.addf %add3A_268, %slice3A_271 : vector<8x512xf32>
    %slice3A_273 = vector.extract_strided_slice %exp3A_240 {offsets = [56, 0], sizes = [8, 512], strides = [1, 1]} : vector<200x512xf32> to vector<8x512xf32>
    %add3A_274 = arith.addf %add3A_270, %slice3A_273 : vector<8x512xf32>
    %slice3A_275 = vector.extract_strided_slice %exp3A_244 {offsets = [56, 0], sizes = [8, 512], strides = [1, 1]} : vector<200x512xf32> to vector<8x512xf32>
    %add3A_276 = arith.addf %add3A_272, %slice3A_275 : vector<8x512xf32>
    %slice3A_277 = vector.extract_strided_slice %exp3A_240 {offsets = [64, 0], sizes = [8, 512], strides = [1, 1]} : vector<200x512xf32> to vector<8x512xf32>
    %add3A_278 = arith.addf %add3A_274, %slice3A_277 : vector<8x512xf32>
    %slice3A_279 = vector.extract_strided_slice %exp3A_244 {offsets = [64, 0], sizes = [8, 512], strides = [1, 1]} : vector<200x512xf32> to vector<8x512xf32>
    %add3A_280 = arith.addf %add3A_276, %slice3A_279 : vector<8x512xf32>
    %slice3A_281 = vector.extract_strided_slice %exp3A_240 {offsets = [72, 0], sizes = [8, 512], strides = [1, 1]} : vector<200x512xf32> to vector<8x512xf32>
    %add3A_282 = arith.addf %add3A_278, %slice3A_281 : vector<8x512xf32>
    %slice3A_283 = vector.extract_strided_slice %exp3A_244 {offsets = [72, 0], sizes = [8, 512], strides = [1, 1]} : vector<200x512xf32> to vector<8x512xf32>
    %add3A_284 = arith.addf %add3A_280, %slice3A_283 : vector<8x512xf32>
    %slice3A_285 = vector.extract_strided_slice %exp3A_240 {offsets = [80, 0], sizes = [8, 512], strides = [1, 1]} : vector<200x512xf32> to vector<8x512xf32>
    %add3A_286 = arith.addf %add3A_282, %slice3A_285 : vector<8x512xf32>
    %slice3A_287 = vector.extract_strided_slice %exp3A_244 {offsets = [80, 0], sizes = [8, 512], strides = [1, 1]} : vector<200x512xf32> to vector<8x512xf32>
    %add3A_288 = arith.addf %add3A_284, %slice3A_287 : vector<8x512xf32>
    %slice3A_289 = vector.extract_strided_slice %exp3A_240 {offsets = [88, 0], sizes = [8, 512], strides = [1, 1]} : vector<200x512xf32> to vector<8x512xf32>
    %add3A_290 = arith.addf %add3A_286, %slice3A_289 : vector<8x512xf32>
    %slice3A_291 = vector.extract_strided_slice %exp3A_244 {offsets = [88, 0], sizes = [8, 512], strides = [1, 1]} : vector<200x512xf32> to vector<8x512xf32>
    %add3A_292 = arith.addf %add3A_288, %slice3A_291 : vector<8x512xf32>
    %slice3A_293 = vector.extract_strided_slice %exp3A_240 {offsets = [96, 0], sizes = [8, 512], strides = [1, 1]} : vector<200x512xf32> to vector<8x512xf32>
    %add3A_294 = arith.addf %add3A_290, %slice3A_293 : vector<8x512xf32>
    %slice3A_295 = vector.extract_strided_slice %exp3A_244 {offsets = [96, 0], sizes = [8, 512], strides = [1, 1]} : vector<200x512xf32> to vector<8x512xf32>
    %add3A_296 = arith.addf %add3A_292, %slice3A_295 : vector<8x512xf32>
    %slice3A_297 = vector.extract_strided_slice %exp3A_240 {offsets = [104, 0], sizes = [8, 512], strides = [1, 1]} : vector<200x512xf32> to vector<8x512xf32>
    %add3A_298 = arith.addf %add3A_294, %slice3A_297 : vector<8x512xf32>
    %slice3A_299 = vector.extract_strided_slice %exp3A_244 {offsets = [104, 0], sizes = [8, 512], strides = [1, 1]} : vector<200x512xf32> to vector<8x512xf32>
    %add3A_300 = arith.addf %add3A_296, %slice3A_299 : vector<8x512xf32>
    %slice3A_301 = vector.extract_strided_slice %exp3A_240 {offsets = [112, 0], sizes = [8, 512], strides = [1, 1]} : vector<200x512xf32> to vector<8x512xf32>
    %add3A_302 = arith.addf %add3A_298, %slice3A_301 : vector<8x512xf32>
    %slice3A_303 = vector.extract_strided_slice %exp3A_244 {offsets = [112, 0], sizes = [8, 512], strides = [1, 1]} : vector<200x512xf32> to vector<8x512xf32>
    %add3A_304 = arith.addf %add3A_300, %slice3A_303 : vector<8x512xf32>
    %slice3A_305 = vector.extract_strided_slice %exp3A_240 {offsets = [120, 0], sizes = [8, 512], strides = [1, 1]} : vector<200x512xf32> to vector<8x512xf32>
    %add3A_306 = arith.addf %add3A_302, %slice3A_305 : vector<8x512xf32>
    %slice3A_307 = vector.extract_strided_slice %exp3A_244 {offsets = [120, 0], sizes = [8, 512], strides = [1, 1]} : vector<200x512xf32> to vector<8x512xf32>
    %add3A_308 = arith.addf %add3A_304, %slice3A_307 : vector<8x512xf32>
    %slice3A_309 = vector.extract_strided_slice %exp3A_240 {offsets = [128, 0], sizes = [8, 512], strides = [1, 1]} : vector<200x512xf32> to vector<8x512xf32>
    %add3A_310 = arith.addf %add3A_306, %slice3A_309 : vector<8x512xf32>
    %slice3A_311 = vector.extract_strided_slice %exp3A_244 {offsets = [128, 0], sizes = [8, 512], strides = [1, 1]} : vector<200x512xf32> to vector<8x512xf32>
    %add3A_312 = arith.addf %add3A_308, %slice3A_311 : vector<8x512xf32>
    %slice3A_313 = vector.extract_strided_slice %exp3A_240 {offsets = [136, 0], sizes = [8, 512], strides = [1, 1]} : vector<200x512xf32> to vector<8x512xf32>
    %add3A_314 = arith.addf %add3A_310, %slice3A_313 : vector<8x512xf32>
    %slice3A_315 = vector.extract_strided_slice %exp3A_244 {offsets = [136, 0], sizes = [8, 512], strides = [1, 1]} : vector<200x512xf32> to vector<8x512xf32>
    %add3A_316 = arith.addf %add3A_312, %slice3A_315 : vector<8x512xf32>
    %slice3A_317 = vector.extract_strided_slice %exp3A_240 {offsets = [144, 0], sizes = [8, 512], strides = [1, 1]} : vector<200x512xf32> to vector<8x512xf32>
    %add3A_318 = arith.addf %add3A_314, %slice3A_317 : vector<8x512xf32>
    %slice3A_319 = vector.extract_strided_slice %exp3A_244 {offsets = [144, 0], sizes = [8, 512], strides = [1, 1]} : vector<200x512xf32> to vector<8x512xf32>
    %add3A_320 = arith.addf %add3A_316, %slice3A_319 : vector<8x512xf32>
    %slice3A_321 = vector.extract_strided_slice %exp3A_240 {offsets = [152, 0], sizes = [8, 512], strides = [1, 1]} : vector<200x512xf32> to vector<8x512xf32>
    %add3A_322 = arith.addf %add3A_318, %slice3A_321 : vector<8x512xf32>
    %slice3A_323 = vector.extract_strided_slice %exp3A_244 {offsets = [152, 0], sizes = [8, 512], strides = [1, 1]} : vector<200x512xf32> to vector<8x512xf32>
    %add3A_324 = arith.addf %add3A_320, %slice3A_323 : vector<8x512xf32>
    %slice3A_325 = vector.extract_strided_slice %exp3A_240 {offsets = [160, 0], sizes = [8, 512], strides = [1, 1]} : vector<200x512xf32> to vector<8x512xf32>
    %add3A_326 = arith.addf %add3A_322, %slice3A_325 : vector<8x512xf32>
    %slice3A_327 = vector.extract_strided_slice %exp3A_244 {offsets = [160, 0], sizes = [8, 512], strides = [1, 1]} : vector<200x512xf32> to vector<8x512xf32>
    %add3A_328 = arith.addf %add3A_324, %slice3A_327 : vector<8x512xf32>
    %slice3A_329 = vector.extract_strided_slice %exp3A_240 {offsets = [168, 0], sizes = [8, 512], strides = [1, 1]} : vector<200x512xf32> to vector<8x512xf32>
    %add3A_330 = arith.addf %add3A_326, %slice3A_329 : vector<8x512xf32>
    %slice3A_331 = vector.extract_strided_slice %exp3A_244 {offsets = [168, 0], sizes = [8, 512], strides = [1, 1]} : vector<200x512xf32> to vector<8x512xf32>
    %add3A_332 = arith.addf %add3A_328, %slice3A_331 : vector<8x512xf32>
    %slice3A_333 = vector.extract_strided_slice %exp3A_240 {offsets = [176, 0], sizes = [8, 512], strides = [1, 1]} : vector<200x512xf32> to vector<8x512xf32>
    %add3A_334 = arith.addf %add3A_330, %slice3A_333 : vector<8x512xf32>
    %slice3A_335 = vector.extract_strided_slice %exp3A_244 {offsets = [176, 0], sizes = [8, 512], strides = [1, 1]} : vector<200x512xf32> to vector<8x512xf32>
    %add3A_336 = arith.addf %add3A_332, %slice3A_335 : vector<8x512xf32>
    %slice3A_337 = vector.extract_strided_slice %exp3A_240 {offsets = [184, 0], sizes = [8, 512], strides = [1, 1]} : vector<200x512xf32> to vector<8x512xf32>
    %add3A_338 = arith.addf %add3A_334, %slice3A_337 : vector<8x512xf32>
    %slice3A_339 = vector.extract_strided_slice %exp3A_244 {offsets = [184, 0], sizes = [8, 512], strides = [1, 1]} : vector<200x512xf32> to vector<8x512xf32>
    %add3A_340 = arith.addf %add3A_336, %slice3A_339 : vector<8x512xf32>
    %slice3A_341 = vector.extract_strided_slice %exp3A_240 {offsets = [192, 0], sizes = [8, 512], strides = [1, 1]} : vector<200x512xf32> to vector<8x512xf32>
    %add3A_342 = arith.addf %add3A_338, %slice3A_341 : vector<8x512xf32>
    %slice3A_343 = vector.extract_strided_slice %exp3A_244 {offsets = [192, 0], sizes = [8, 512], strides = [1, 1]} : vector<200x512xf32> to vector<8x512xf32>
    %add3A_344 = arith.addf %add3A_340, %slice3A_343 : vector<8x512xf32>
    %get3A_345 = arith.constant 600 : index
    %get3A_346 = arith.constant 0 : index
    %get3A_347 = vector.load %arg2[%get3A_345, %get3A_346] : memref<2000x512xf32, #tpu.memory_space<vmem>>, vector<200x512xf32>
    %get3A_348 = arith.constant 600 : index
    %get3A_349 = arith.constant 0 : index
    %get3A_350 = vector.load %arg3[%get3A_348, %get3A_349] : memref<2000x512xf32, #tpu.memory_space<vmem>>, vector<200x512xf32>
    %mul3A_351 = arith.constant 6.400000e+01 : f32
    %mul3A_352 = vector.broadcast %mul3A_351 : f32 to vector<200x512xf32>
    %mul3A_353 = arith.mulf %get3A_347, %mul3A_352 : vector<200x512xf32>
    %exp3A_354 = math.exp %mul3A_353 : vector<200x512xf32>
    %mul3A_355 = arith.constant 6.400000e+01 : f32
    %mul3A_356 = vector.broadcast %mul3A_355 : f32 to vector<200x512xf32>
    %mul3A_357 = arith.mulf %get3A_350, %mul3A_356 : vector<200x512xf32>
    %exp3A_358 = math.exp %mul3A_357 : vector<200x512xf32>
    %slice3A_359 = vector.extract_strided_slice %exp3A_354 {offsets = [0, 0], sizes = [8, 512], strides = [1, 1]} : vector<200x512xf32> to vector<8x512xf32>
    %add3A_360 = arith.addf %add3A_342, %slice3A_359 : vector<8x512xf32>
    %slice3A_361 = vector.extract_strided_slice %exp3A_358 {offsets = [0, 0], sizes = [8, 512], strides = [1, 1]} : vector<200x512xf32> to vector<8x512xf32>
    %add3A_362 = arith.addf %add3A_344, %slice3A_361 : vector<8x512xf32>
    %slice3A_363 = vector.extract_strided_slice %exp3A_354 {offsets = [8, 0], sizes = [8, 512], strides = [1, 1]} : vector<200x512xf32> to vector<8x512xf32>
    %add3A_364 = arith.addf %add3A_360, %slice3A_363 : vector<8x512xf32>
    %slice3A_365 = vector.extract_strided_slice %exp3A_358 {offsets = [8, 0], sizes = [8, 512], strides = [1, 1]} : vector<200x512xf32> to vector<8x512xf32>
    %add3A_366 = arith.addf %add3A_362, %slice3A_365 : vector<8x512xf32>
    %slice3A_367 = vector.extract_strided_slice %exp3A_354 {offsets = [16, 0], sizes = [8, 512], strides = [1, 1]} : vector<200x512xf32> to vector<8x512xf32>
    %add3A_368 = arith.addf %add3A_364, %slice3A_367 : vector<8x512xf32>
    %slice3A_369 = vector.extract_strided_slice %exp3A_358 {offsets = [16, 0], sizes = [8, 512], strides = [1, 1]} : vector<200x512xf32> to vector<8x512xf32>
    %add3A_370 = arith.addf %add3A_366, %slice3A_369 : vector<8x512xf32>
    %slice3A_371 = vector.extract_strided_slice %exp3A_354 {offsets = [24, 0], sizes = [8, 512], strides = [1, 1]} : vector<200x512xf32> to vector<8x512xf32>
    %add3A_372 = arith.addf %add3A_368, %slice3A_371 : vector<8x512xf32>
    %slice3A_373 = vector.extract_strided_slice %exp3A_358 {offsets = [24, 0], sizes = [8, 512], strides = [1, 1]} : vector<200x512xf32> to vector<8x512xf32>
    %add3A_374 = arith.addf %add3A_370, %slice3A_373 : vector<8x512xf32>
    %slice3A_375 = vector.extract_strided_slice %exp3A_354 {offsets = [32, 0], sizes = [8, 512], strides = [1, 1]} : vector<200x512xf32> to vector<8x512xf32>
    %add3A_376 = arith.addf %add3A_372, %slice3A_375 : vector<8x512xf32>
    %slice3A_377 = vector.extract_strided_slice %exp3A_358 {offsets = [32, 0], sizes = [8, 512], strides = [1, 1]} : vector<200x512xf32> to vector<8x512xf32>
    %add3A_378 = arith.addf %add3A_374, %slice3A_377 : vector<8x512xf32>
    %slice3A_379 = vector.extract_strided_slice %exp3A_354 {offsets = [40, 0], sizes = [8, 512], strides = [1, 1]} : vector<200x512xf32> to vector<8x512xf32>
    %add3A_380 = arith.addf %add3A_376, %slice3A_379 : vector<8x512xf32>
    %slice3A_381 = vector.extract_strided_slice %exp3A_358 {offsets = [40, 0], sizes = [8, 512], strides = [1, 1]} : vector<200x512xf32> to vector<8x512xf32>
    %add3A_382 = arith.addf %add3A_378, %slice3A_381 : vector<8x512xf32>
    %slice3A_383 = vector.extract_strided_slice %exp3A_354 {offsets = [48, 0], sizes = [8, 512], strides = [1, 1]} : vector<200x512xf32> to vector<8x512xf32>
    %add3A_384 = arith.addf %add3A_380, %slice3A_383 : vector<8x512xf32>
    %slice3A_385 = vector.extract_strided_slice %exp3A_358 {offsets = [48, 0], sizes = [8, 512], strides = [1, 1]} : vector<200x512xf32> to vector<8x512xf32>
    %add3A_386 = arith.addf %add3A_382, %slice3A_385 : vector<8x512xf32>
    %slice3A_387 = vector.extract_strided_slice %exp3A_354 {offsets = [56, 0], sizes = [8, 512], strides = [1, 1]} : vector<200x512xf32> to vector<8x512xf32>
    %add3A_388 = arith.addf %add3A_384, %slice3A_387 : vector<8x512xf32>
    %slice3A_389 = vector.extract_strided_slice %exp3A_358 {offsets = [56, 0], sizes = [8, 512], strides = [1, 1]} : vector<200x512xf32> to vector<8x512xf32>
    %add3A_390 = arith.addf %add3A_386, %slice3A_389 : vector<8x512xf32>
    %slice3A_391 = vector.extract_strided_slice %exp3A_354 {offsets = [64, 0], sizes = [8, 512], strides = [1, 1]} : vector<200x512xf32> to vector<8x512xf32>
    %add3A_392 = arith.addf %add3A_388, %slice3A_391 : vector<8x512xf32>
    %slice3A_393 = vector.extract_strided_slice %exp3A_358 {offsets = [64, 0], sizes = [8, 512], strides = [1, 1]} : vector<200x512xf32> to vector<8x512xf32>
    %add3A_394 = arith.addf %add3A_390, %slice3A_393 : vector<8x512xf32>
    %slice3A_395 = vector.extract_strided_slice %exp3A_354 {offsets = [72, 0], sizes = [8, 512], strides = [1, 1]} : vector<200x512xf32> to vector<8x512xf32>
    %add3A_396 = arith.addf %add3A_392, %slice3A_395 : vector<8x512xf32>
    %slice3A_397 = vector.extract_strided_slice %exp3A_358 {offsets = [72, 0], sizes = [8, 512], strides = [1, 1]} : vector<200x512xf32> to vector<8x512xf32>
    %add3A_398 = arith.addf %add3A_394, %slice3A_397 : vector<8x512xf32>
    %slice3A_399 = vector.extract_strided_slice %exp3A_354 {offsets = [80, 0], sizes = [8, 512], strides = [1, 1]} : vector<200x512xf32> to vector<8x512xf32>
    %add3A_400 = arith.addf %add3A_396, %slice3A_399 : vector<8x512xf32>
    %slice3A_401 = vector.extract_strided_slice %exp3A_358 {offsets = [80, 0], sizes = [8, 512], strides = [1, 1]} : vector<200x512xf32> to vector<8x512xf32>
    %add3A_402 = arith.addf %add3A_398, %slice3A_401 : vector<8x512xf32>
    %slice3A_403 = vector.extract_strided_slice %exp3A_354 {offsets = [88, 0], sizes = [8, 512], strides = [1, 1]} : vector<200x512xf32> to vector<8x512xf32>
    %add3A_404 = arith.addf %add3A_400, %slice3A_403 : vector<8x512xf32>
    %slice3A_405 = vector.extract_strided_slice %exp3A_358 {offsets = [88, 0], sizes = [8, 512], strides = [1, 1]} : vector<200x512xf32> to vector<8x512xf32>
    %add3A_406 = arith.addf %add3A_402, %slice3A_405 : vector<8x512xf32>
    %slice3A_407 = vector.extract_strided_slice %exp3A_354 {offsets = [96, 0], sizes = [8, 512], strides = [1, 1]} : vector<200x512xf32> to vector<8x512xf32>
    %add3A_408 = arith.addf %add3A_404, %slice3A_407 : vector<8x512xf32>
    %slice3A_409 = vector.extract_strided_slice %exp3A_358 {offsets = [96, 0], sizes = [8, 512], strides = [1, 1]} : vector<200x512xf32> to vector<8x512xf32>
    %add3A_410 = arith.addf %add3A_406, %slice3A_409 : vector<8x512xf32>
    %slice3A_411 = vector.extract_strided_slice %exp3A_354 {offsets = [104, 0], sizes = [8, 512], strides = [1, 1]} : vector<200x512xf32> to vector<8x512xf32>
    %add3A_412 = arith.addf %add3A_408, %slice3A_411 : vector<8x512xf32>
    %slice3A_413 = vector.extract_strided_slice %exp3A_358 {offsets = [104, 0], sizes = [8, 512], strides = [1, 1]} : vector<200x512xf32> to vector<8x512xf32>
    %add3A_414 = arith.addf %add3A_410, %slice3A_413 : vector<8x512xf32>
    %slice3A_415 = vector.extract_strided_slice %exp3A_354 {offsets = [112, 0], sizes = [8, 512], strides = [1, 1]} : vector<200x512xf32> to vector<8x512xf32>
    %add3A_416 = arith.addf %add3A_412, %slice3A_415 : vector<8x512xf32>
    %slice3A_417 = vector.extract_strided_slice %exp3A_358 {offsets = [112, 0], sizes = [8, 512], strides = [1, 1]} : vector<200x512xf32> to vector<8x512xf32>
    %add3A_418 = arith.addf %add3A_414, %slice3A_417 : vector<8x512xf32>
    %slice3A_419 = vector.extract_strided_slice %exp3A_354 {offsets = [120, 0], sizes = [8, 512], strides = [1, 1]} : vector<200x512xf32> to vector<8x512xf32>
    %add3A_420 = arith.addf %add3A_416, %slice3A_419 : vector<8x512xf32>
    %slice3A_421 = vector.extract_strided_slice %exp3A_358 {offsets = [120, 0], sizes = [8, 512], strides = [1, 1]} : vector<200x512xf32> to vector<8x512xf32>
    %add3A_422 = arith.addf %add3A_418, %slice3A_421 : vector<8x512xf32>
    %slice3A_423 = vector.extract_strided_slice %exp3A_354 {offsets = [128, 0], sizes = [8, 512], strides = [1, 1]} : vector<200x512xf32> to vector<8x512xf32>
    %add3A_424 = arith.addf %add3A_420, %slice3A_423 : vector<8x512xf32>
    %slice3A_425 = vector.extract_strided_slice %exp3A_358 {offsets = [128, 0], sizes = [8, 512], strides = [1, 1]} : vector<200x512xf32> to vector<8x512xf32>
    %add3A_426 = arith.addf %add3A_422, %slice3A_425 : vector<8x512xf32>
    %slice3A_427 = vector.extract_strided_slice %exp3A_354 {offsets = [136, 0], sizes = [8, 512], strides = [1, 1]} : vector<200x512xf32> to vector<8x512xf32>
    %add3A_428 = arith.addf %add3A_424, %slice3A_427 : vector<8x512xf32>
    %slice3A_429 = vector.extract_strided_slice %exp3A_358 {offsets = [136, 0], sizes = [8, 512], strides = [1, 1]} : vector<200x512xf32> to vector<8x512xf32>
    %add3A_430 = arith.addf %add3A_426, %slice3A_429 : vector<8x512xf32>
    %slice3A_431 = vector.extract_strided_slice %exp3A_354 {offsets = [144, 0], sizes = [8, 512], strides = [1, 1]} : vector<200x512xf32> to vector<8x512xf32>
    %add3A_432 = arith.addf %add3A_428, %slice3A_431 : vector<8x512xf32>
    %slice3A_433 = vector.extract_strided_slice %exp3A_358 {offsets = [144, 0], sizes = [8, 512], strides = [1, 1]} : vector<200x512xf32> to vector<8x512xf32>
    %add3A_434 = arith.addf %add3A_430, %slice3A_433 : vector<8x512xf32>
    %slice3A_435 = vector.extract_strided_slice %exp3A_354 {offsets = [152, 0], sizes = [8, 512], strides = [1, 1]} : vector<200x512xf32> to vector<8x512xf32>
    %add3A_436 = arith.addf %add3A_432, %slice3A_435 : vector<8x512xf32>
    %slice3A_437 = vector.extract_strided_slice %exp3A_358 {offsets = [152, 0], sizes = [8, 512], strides = [1, 1]} : vector<200x512xf32> to vector<8x512xf32>
    %add3A_438 = arith.addf %add3A_434, %slice3A_437 : vector<8x512xf32>
    %slice3A_439 = vector.extract_strided_slice %exp3A_354 {offsets = [160, 0], sizes = [8, 512], strides = [1, 1]} : vector<200x512xf32> to vector<8x512xf32>
    %add3A_440 = arith.addf %add3A_436, %slice3A_439 : vector<8x512xf32>
    %slice3A_441 = vector.extract_strided_slice %exp3A_358 {offsets = [160, 0], sizes = [8, 512], strides = [1, 1]} : vector<200x512xf32> to vector<8x512xf32>
    %add3A_442 = arith.addf %add3A_438, %slice3A_441 : vector<8x512xf32>
    %slice3A_443 = vector.extract_strided_slice %exp3A_354 {offsets = [168, 0], sizes = [8, 512], strides = [1, 1]} : vector<200x512xf32> to vector<8x512xf32>
    %add3A_444 = arith.addf %add3A_440, %slice3A_443 : vector<8x512xf32>
    %slice3A_445 = vector.extract_strided_slice %exp3A_358 {offsets = [168, 0], sizes = [8, 512], strides = [1, 1]} : vector<200x512xf32> to vector<8x512xf32>
    %add3A_446 = arith.addf %add3A_442, %slice3A_445 : vector<8x512xf32>
    %slice3A_447 = vector.extract_strided_slice %exp3A_354 {offsets = [176, 0], sizes = [8, 512], strides = [1, 1]} : vector<200x512xf32> to vector<8x512xf32>
    %add3A_448 = arith.addf %add3A_444, %slice3A_447 : vector<8x512xf32>
    %slice3A_449 = vector.extract_strided_slice %exp3A_358 {offsets = [176, 0], sizes = [8, 512], strides = [1, 1]} : vector<200x512xf32> to vector<8x512xf32>
    %add3A_450 = arith.addf %add3A_446, %slice3A_449 : vector<8x512xf32>
    %slice3A_451 = vector.extract_strided_slice %exp3A_354 {offsets = [184, 0], sizes = [8, 512], strides = [1, 1]} : vector<200x512xf32> to vector<8x512xf32>
    %add3A_452 = arith.addf %add3A_448, %slice3A_451 : vector<8x512xf32>
    %slice3A_453 = vector.extract_strided_slice %exp3A_358 {offsets = [184, 0], sizes = [8, 512], strides = [1, 1]} : vector<200x512xf32> to vector<8x512xf32>
    %add3A_454 = arith.addf %add3A_450, %slice3A_453 : vector<8x512xf32>
    %slice3A_455 = vector.extract_strided_slice %exp3A_354 {offsets = [192, 0], sizes = [8, 512], strides = [1, 1]} : vector<200x512xf32> to vector<8x512xf32>
    %add3A_456 = arith.addf %add3A_452, %slice3A_455 : vector<8x512xf32>
    %slice3A_457 = vector.extract_strided_slice %exp3A_358 {offsets = [192, 0], sizes = [8, 512], strides = [1, 1]} : vector<200x512xf32> to vector<8x512xf32>
    %add3A_458 = arith.addf %add3A_454, %slice3A_457 : vector<8x512xf32>
    %get3A_459 = arith.constant 800 : index
    %get3A_460 = arith.constant 0 : index
    %get3A_461 = vector.load %arg2[%get3A_459, %get3A_460] : memref<2000x512xf32, #tpu.memory_space<vmem>>, vector<200x512xf32>
    %get3A_462 = arith.constant 800 : index
    %get3A_463 = arith.constant 0 : index
    %get3A_464 = vector.load %arg3[%get3A_462, %get3A_463] : memref<2000x512xf32, #tpu.memory_space<vmem>>, vector<200x512xf32>
    %mul3A_465 = arith.constant 6.400000e+01 : f32
    %mul3A_466 = vector.broadcast %mul3A_465 : f32 to vector<200x512xf32>
    %mul3A_467 = arith.mulf %get3A_461, %mul3A_466 : vector<200x512xf32>
    %exp3A_468 = math.exp %mul3A_467 : vector<200x512xf32>
    %mul3A_469 = arith.constant 6.400000e+01 : f32
    %mul3A_470 = vector.broadcast %mul3A_469 : f32 to vector<200x512xf32>
    %mul3A_471 = arith.mulf %get3A_464, %mul3A_470 : vector<200x512xf32>
    %exp3A_472 = math.exp %mul3A_471 : vector<200x512xf32>
    %slice3A_473 = vector.extract_strided_slice %exp3A_468 {offsets = [0, 0], sizes = [8, 512], strides = [1, 1]} : vector<200x512xf32> to vector<8x512xf32>
    %add3A_474 = arith.addf %add3A_456, %slice3A_473 : vector<8x512xf32>
    %slice3A_475 = vector.extract_strided_slice %exp3A_472 {offsets = [0, 0], sizes = [8, 512], strides = [1, 1]} : vector<200x512xf32> to vector<8x512xf32>
    %add3A_476 = arith.addf %add3A_458, %slice3A_475 : vector<8x512xf32>
    %slice3A_477 = vector.extract_strided_slice %exp3A_468 {offsets = [8, 0], sizes = [8, 512], strides = [1, 1]} : vector<200x512xf32> to vector<8x512xf32>
    %add3A_478 = arith.addf %add3A_474, %slice3A_477 : vector<8x512xf32>
    %slice3A_479 = vector.extract_strided_slice %exp3A_472 {offsets = [8, 0], sizes = [8, 512], strides = [1, 1]} : vector<200x512xf32> to vector<8x512xf32>
    %add3A_480 = arith.addf %add3A_476, %slice3A_479 : vector<8x512xf32>
    %slice3A_481 = vector.extract_strided_slice %exp3A_468 {offsets = [16, 0], sizes = [8, 512], strides = [1, 1]} : vector<200x512xf32> to vector<8x512xf32>
    %add3A_482 = arith.addf %add3A_478, %slice3A_481 : vector<8x512xf32>
    %slice3A_483 = vector.extract_strided_slice %exp3A_472 {offsets = [16, 0], sizes = [8, 512], strides = [1, 1]} : vector<200x512xf32> to vector<8x512xf32>
    %add3A_484 = arith.addf %add3A_480, %slice3A_483 : vector<8x512xf32>
    %slice3A_485 = vector.extract_strided_slice %exp3A_468 {offsets = [24, 0], sizes = [8, 512], strides = [1, 1]} : vector<200x512xf32> to vector<8x512xf32>
    %add3A_486 = arith.addf %add3A_482, %slice3A_485 : vector<8x512xf32>
    %slice3A_487 = vector.extract_strided_slice %exp3A_472 {offsets = [24, 0], sizes = [8, 512], strides = [1, 1]} : vector<200x512xf32> to vector<8x512xf32>
    %add3A_488 = arith.addf %add3A_484, %slice3A_487 : vector<8x512xf32>
    %slice3A_489 = vector.extract_strided_slice %exp3A_468 {offsets = [32, 0], sizes = [8, 512], strides = [1, 1]} : vector<200x512xf32> to vector<8x512xf32>
    %add3A_490 = arith.addf %add3A_486, %slice3A_489 : vector<8x512xf32>
    %slice3A_491 = vector.extract_strided_slice %exp3A_472 {offsets = [32, 0], sizes = [8, 512], strides = [1, 1]} : vector<200x512xf32> to vector<8x512xf32>
    %add3A_492 = arith.addf %add3A_488, %slice3A_491 : vector<8x512xf32>
    %slice3A_493 = vector.extract_strided_slice %exp3A_468 {offsets = [40, 0], sizes = [8, 512], strides = [1, 1]} : vector<200x512xf32> to vector<8x512xf32>
    %add3A_494 = arith.addf %add3A_490, %slice3A_493 : vector<8x512xf32>
    %slice3A_495 = vector.extract_strided_slice %exp3A_472 {offsets = [40, 0], sizes = [8, 512], strides = [1, 1]} : vector<200x512xf32> to vector<8x512xf32>
    %add3A_496 = arith.addf %add3A_492, %slice3A_495 : vector<8x512xf32>
    %slice3A_497 = vector.extract_strided_slice %exp3A_468 {offsets = [48, 0], sizes = [8, 512], strides = [1, 1]} : vector<200x512xf32> to vector<8x512xf32>
    %add3A_498 = arith.addf %add3A_494, %slice3A_497 : vector<8x512xf32>
    %slice3A_499 = vector.extract_strided_slice %exp3A_472 {offsets = [48, 0], sizes = [8, 512], strides = [1, 1]} : vector<200x512xf32> to vector<8x512xf32>
    %add3A_500 = arith.addf %add3A_496, %slice3A_499 : vector<8x512xf32>
    %slice3A_501 = vector.extract_strided_slice %exp3A_468 {offsets = [56, 0], sizes = [8, 512], strides = [1, 1]} : vector<200x512xf32> to vector<8x512xf32>
    %add3A_502 = arith.addf %add3A_498, %slice3A_501 : vector<8x512xf32>
    %slice3A_503 = vector.extract_strided_slice %exp3A_472 {offsets = [56, 0], sizes = [8, 512], strides = [1, 1]} : vector<200x512xf32> to vector<8x512xf32>
    %add3A_504 = arith.addf %add3A_500, %slice3A_503 : vector<8x512xf32>
    %slice3A_505 = vector.extract_strided_slice %exp3A_468 {offsets = [64, 0], sizes = [8, 512], strides = [1, 1]} : vector<200x512xf32> to vector<8x512xf32>
    %add3A_506 = arith.addf %add3A_502, %slice3A_505 : vector<8x512xf32>
    %slice3A_507 = vector.extract_strided_slice %exp3A_472 {offsets = [64, 0], sizes = [8, 512], strides = [1, 1]} : vector<200x512xf32> to vector<8x512xf32>
    %add3A_508 = arith.addf %add3A_504, %slice3A_507 : vector<8x512xf32>
    %slice3A_509 = vector.extract_strided_slice %exp3A_468 {offsets = [72, 0], sizes = [8, 512], strides = [1, 1]} : vector<200x512xf32> to vector<8x512xf32>
    %add3A_510 = arith.addf %add3A_506, %slice3A_509 : vector<8x512xf32>
    %slice3A_511 = vector.extract_strided_slice %exp3A_472 {offsets = [72, 0], sizes = [8, 512], strides = [1, 1]} : vector<200x512xf32> to vector<8x512xf32>
    %add3A_512 = arith.addf %add3A_508, %slice3A_511 : vector<8x512xf32>
    %slice3A_513 = vector.extract_strided_slice %exp3A_468 {offsets = [80, 0], sizes = [8, 512], strides = [1, 1]} : vector<200x512xf32> to vector<8x512xf32>
    %add3A_514 = arith.addf %add3A_510, %slice3A_513 : vector<8x512xf32>
    %slice3A_515 = vector.extract_strided_slice %exp3A_472 {offsets = [80, 0], sizes = [8, 512], strides = [1, 1]} : vector<200x512xf32> to vector<8x512xf32>
    %add3A_516 = arith.addf %add3A_512, %slice3A_515 : vector<8x512xf32>
    %slice3A_517 = vector.extract_strided_slice %exp3A_468 {offsets = [88, 0], sizes = [8, 512], strides = [1, 1]} : vector<200x512xf32> to vector<8x512xf32>
    %add3A_518 = arith.addf %add3A_514, %slice3A_517 : vector<8x512xf32>
    %slice3A_519 = vector.extract_strided_slice %exp3A_472 {offsets = [88, 0], sizes = [8, 512], strides = [1, 1]} : vector<200x512xf32> to vector<8x512xf32>
    %add3A_520 = arith.addf %add3A_516, %slice3A_519 : vector<8x512xf32>
    %slice3A_521 = vector.extract_strided_slice %exp3A_468 {offsets = [96, 0], sizes = [8, 512], strides = [1, 1]} : vector<200x512xf32> to vector<8x512xf32>
    %add3A_522 = arith.addf %add3A_518, %slice3A_521 : vector<8x512xf32>
    %slice3A_523 = vector.extract_strided_slice %exp3A_472 {offsets = [96, 0], sizes = [8, 512], strides = [1, 1]} : vector<200x512xf32> to vector<8x512xf32>
    %add3A_524 = arith.addf %add3A_520, %slice3A_523 : vector<8x512xf32>
    %slice3A_525 = vector.extract_strided_slice %exp3A_468 {offsets = [104, 0], sizes = [8, 512], strides = [1, 1]} : vector<200x512xf32> to vector<8x512xf32>
    %add3A_526 = arith.addf %add3A_522, %slice3A_525 : vector<8x512xf32>
    %slice3A_527 = vector.extract_strided_slice %exp3A_472 {offsets = [104, 0], sizes = [8, 512], strides = [1, 1]} : vector<200x512xf32> to vector<8x512xf32>
    %add3A_528 = arith.addf %add3A_524, %slice3A_527 : vector<8x512xf32>
    %slice3A_529 = vector.extract_strided_slice %exp3A_468 {offsets = [112, 0], sizes = [8, 512], strides = [1, 1]} : vector<200x512xf32> to vector<8x512xf32>
    %add3A_530 = arith.addf %add3A_526, %slice3A_529 : vector<8x512xf32>
    %slice3A_531 = vector.extract_strided_slice %exp3A_472 {offsets = [112, 0], sizes = [8, 512], strides = [1, 1]} : vector<200x512xf32> to vector<8x512xf32>
    %add3A_532 = arith.addf %add3A_528, %slice3A_531 : vector<8x512xf32>
    %slice3A_533 = vector.extract_strided_slice %exp3A_468 {offsets = [120, 0], sizes = [8, 512], strides = [1, 1]} : vector<200x512xf32> to vector<8x512xf32>
    %add3A_534 = arith.addf %add3A_530, %slice3A_533 : vector<8x512xf32>
    %slice3A_535 = vector.extract_strided_slice %exp3A_472 {offsets = [120, 0], sizes = [8, 512], strides = [1, 1]} : vector<200x512xf32> to vector<8x512xf32>
    %add3A_536 = arith.addf %add3A_532, %slice3A_535 : vector<8x512xf32>
    %slice3A_537 = vector.extract_strided_slice %exp3A_468 {offsets = [128, 0], sizes = [8, 512], strides = [1, 1]} : vector<200x512xf32> to vector<8x512xf32>
    %add3A_538 = arith.addf %add3A_534, %slice3A_537 : vector<8x512xf32>
    %slice3A_539 = vector.extract_strided_slice %exp3A_472 {offsets = [128, 0], sizes = [8, 512], strides = [1, 1]} : vector<200x512xf32> to vector<8x512xf32>
    %add3A_540 = arith.addf %add3A_536, %slice3A_539 : vector<8x512xf32>
    %slice3A_541 = vector.extract_strided_slice %exp3A_468 {offsets = [136, 0], sizes = [8, 512], strides = [1, 1]} : vector<200x512xf32> to vector<8x512xf32>
    %add3A_542 = arith.addf %add3A_538, %slice3A_541 : vector<8x512xf32>
    %slice3A_543 = vector.extract_strided_slice %exp3A_472 {offsets = [136, 0], sizes = [8, 512], strides = [1, 1]} : vector<200x512xf32> to vector<8x512xf32>
    %add3A_544 = arith.addf %add3A_540, %slice3A_543 : vector<8x512xf32>
    %slice3A_545 = vector.extract_strided_slice %exp3A_468 {offsets = [144, 0], sizes = [8, 512], strides = [1, 1]} : vector<200x512xf32> to vector<8x512xf32>
    %add3A_546 = arith.addf %add3A_542, %slice3A_545 : vector<8x512xf32>
    %slice3A_547 = vector.extract_strided_slice %exp3A_472 {offsets = [144, 0], sizes = [8, 512], strides = [1, 1]} : vector<200x512xf32> to vector<8x512xf32>
    %add3A_548 = arith.addf %add3A_544, %slice3A_547 : vector<8x512xf32>
    %slice3A_549 = vector.extract_strided_slice %exp3A_468 {offsets = [152, 0], sizes = [8, 512], strides = [1, 1]} : vector<200x512xf32> to vector<8x512xf32>
    %add3A_550 = arith.addf %add3A_546, %slice3A_549 : vector<8x512xf32>
    %slice3A_551 = vector.extract_strided_slice %exp3A_472 {offsets = [152, 0], sizes = [8, 512], strides = [1, 1]} : vector<200x512xf32> to vector<8x512xf32>
    %add3A_552 = arith.addf %add3A_548, %slice3A_551 : vector<8x512xf32>
    %slice3A_553 = vector.extract_strided_slice %exp3A_468 {offsets = [160, 0], sizes = [8, 512], strides = [1, 1]} : vector<200x512xf32> to vector<8x512xf32>
    %add3A_554 = arith.addf %add3A_550, %slice3A_553 : vector<8x512xf32>
    %slice3A_555 = vector.extract_strided_slice %exp3A_472 {offsets = [160, 0], sizes = [8, 512], strides = [1, 1]} : vector<200x512xf32> to vector<8x512xf32>
    %add3A_556 = arith.addf %add3A_552, %slice3A_555 : vector<8x512xf32>
    %slice3A_557 = vector.extract_strided_slice %exp3A_468 {offsets = [168, 0], sizes = [8, 512], strides = [1, 1]} : vector<200x512xf32> to vector<8x512xf32>
    %add3A_558 = arith.addf %add3A_554, %slice3A_557 : vector<8x512xf32>
    %slice3A_559 = vector.extract_strided_slice %exp3A_472 {offsets = [168, 0], sizes = [8, 512], strides = [1, 1]} : vector<200x512xf32> to vector<8x512xf32>
    %add3A_560 = arith.addf %add3A_556, %slice3A_559 : vector<8x512xf32>
    %slice3A_561 = vector.extract_strided_slice %exp3A_468 {offsets = [176, 0], sizes = [8, 512], strides = [1, 1]} : vector<200x512xf32> to vector<8x512xf32>
    %add3A_562 = arith.addf %add3A_558, %slice3A_561 : vector<8x512xf32>
    %slice3A_563 = vector.extract_strided_slice %exp3A_472 {offsets = [176, 0], sizes = [8, 512], strides = [1, 1]} : vector<200x512xf32> to vector<8x512xf32>
    %add3A_564 = arith.addf %add3A_560, %slice3A_563 : vector<8x512xf32>
    %slice3A_565 = vector.extract_strided_slice %exp3A_468 {offsets = [184, 0], sizes = [8, 512], strides = [1, 1]} : vector<200x512xf32> to vector<8x512xf32>
    %add3A_566 = arith.addf %add3A_562, %slice3A_565 : vector<8x512xf32>
    %slice3A_567 = vector.extract_strided_slice %exp3A_472 {offsets = [184, 0], sizes = [8, 512], strides = [1, 1]} : vector<200x512xf32> to vector<8x512xf32>
    %add3A_568 = arith.addf %add3A_564, %slice3A_567 : vector<8x512xf32>
    %slice3A_569 = vector.extract_strided_slice %exp3A_468 {offsets = [192, 0], sizes = [8, 512], strides = [1, 1]} : vector<200x512xf32> to vector<8x512xf32>
    %add3A_570 = arith.addf %add3A_566, %slice3A_569 : vector<8x512xf32>
    %slice3A_571 = vector.extract_strided_slice %exp3A_472 {offsets = [192, 0], sizes = [8, 512], strides = [1, 1]} : vector<200x512xf32> to vector<8x512xf32>
    %add3A_572 = arith.addf %add3A_568, %slice3A_571 : vector<8x512xf32>
    %get3A_573 = arith.constant 1000 : index
    %get3A_574 = arith.constant 0 : index
    %get3A_575 = vector.load %arg2[%get3A_573, %get3A_574] : memref<2000x512xf32, #tpu.memory_space<vmem>>, vector<200x512xf32>
    %get3A_576 = arith.constant 1000 : index
    %get3A_577 = arith.constant 0 : index
    %get3A_578 = vector.load %arg3[%get3A_576, %get3A_577] : memref<2000x512xf32, #tpu.memory_space<vmem>>, vector<200x512xf32>
    %mul3A_579 = arith.constant 6.400000e+01 : f32
    %mul3A_580 = vector.broadcast %mul3A_579 : f32 to vector<200x512xf32>
    %mul3A_581 = arith.mulf %get3A_575, %mul3A_580 : vector<200x512xf32>
    %exp3A_582 = math.exp %mul3A_581 : vector<200x512xf32>
    %mul3A_583 = arith.constant 6.400000e+01 : f32
    %mul3A_584 = vector.broadcast %mul3A_583 : f32 to vector<200x512xf32>
    %mul3A_585 = arith.mulf %get3A_578, %mul3A_584 : vector<200x512xf32>
    %exp3A_586 = math.exp %mul3A_585 : vector<200x512xf32>
    %slice3A_587 = vector.extract_strided_slice %exp3A_582 {offsets = [0, 0], sizes = [8, 512], strides = [1, 1]} : vector<200x512xf32> to vector<8x512xf32>
    %add3A_588 = arith.addf %add3A_570, %slice3A_587 : vector<8x512xf32>
    %slice3A_589 = vector.extract_strided_slice %exp3A_586 {offsets = [0, 0], sizes = [8, 512], strides = [1, 1]} : vector<200x512xf32> to vector<8x512xf32>
    %add3A_590 = arith.addf %add3A_572, %slice3A_589 : vector<8x512xf32>
    %slice3A_591 = vector.extract_strided_slice %exp3A_582 {offsets = [8, 0], sizes = [8, 512], strides = [1, 1]} : vector<200x512xf32> to vector<8x512xf32>
    %add3A_592 = arith.addf %add3A_588, %slice3A_591 : vector<8x512xf32>
    %slice3A_593 = vector.extract_strided_slice %exp3A_586 {offsets = [8, 0], sizes = [8, 512], strides = [1, 1]} : vector<200x512xf32> to vector<8x512xf32>
    %add3A_594 = arith.addf %add3A_590, %slice3A_593 : vector<8x512xf32>
    %slice3A_595 = vector.extract_strided_slice %exp3A_582 {offsets = [16, 0], sizes = [8, 512], strides = [1, 1]} : vector<200x512xf32> to vector<8x512xf32>
    %add3A_596 = arith.addf %add3A_592, %slice3A_595 : vector<8x512xf32>
    %slice3A_597 = vector.extract_strided_slice %exp3A_586 {offsets = [16, 0], sizes = [8, 512], strides = [1, 1]} : vector<200x512xf32> to vector<8x512xf32>
    %add3A_598 = arith.addf %add3A_594, %slice3A_597 : vector<8x512xf32>
    %slice3A_599 = vector.extract_strided_slice %exp3A_582 {offsets = [24, 0], sizes = [8, 512], strides = [1, 1]} : vector<200x512xf32> to vector<8x512xf32>
    %add3A_600 = arith.addf %add3A_596, %slice3A_599 : vector<8x512xf32>
    %slice3A_601 = vector.extract_strided_slice %exp3A_586 {offsets = [24, 0], sizes = [8, 512], strides = [1, 1]} : vector<200x512xf32> to vector<8x512xf32>
    %add3A_602 = arith.addf %add3A_598, %slice3A_601 : vector<8x512xf32>
    %slice3A_603 = vector.extract_strided_slice %exp3A_582 {offsets = [32, 0], sizes = [8, 512], strides = [1, 1]} : vector<200x512xf32> to vector<8x512xf32>
    %add3A_604 = arith.addf %add3A_600, %slice3A_603 : vector<8x512xf32>
    %slice3A_605 = vector.extract_strided_slice %exp3A_586 {offsets = [32, 0], sizes = [8, 512], strides = [1, 1]} : vector<200x512xf32> to vector<8x512xf32>
    %add3A_606 = arith.addf %add3A_602, %slice3A_605 : vector<8x512xf32>
    %slice3A_607 = vector.extract_strided_slice %exp3A_582 {offsets = [40, 0], sizes = [8, 512], strides = [1, 1]} : vector<200x512xf32> to vector<8x512xf32>
    %add3A_608 = arith.addf %add3A_604, %slice3A_607 : vector<8x512xf32>
    %slice3A_609 = vector.extract_strided_slice %exp3A_586 {offsets = [40, 0], sizes = [8, 512], strides = [1, 1]} : vector<200x512xf32> to vector<8x512xf32>
    %add3A_610 = arith.addf %add3A_606, %slice3A_609 : vector<8x512xf32>
    %slice3A_611 = vector.extract_strided_slice %exp3A_582 {offsets = [48, 0], sizes = [8, 512], strides = [1, 1]} : vector<200x512xf32> to vector<8x512xf32>
    %add3A_612 = arith.addf %add3A_608, %slice3A_611 : vector<8x512xf32>
    %slice3A_613 = vector.extract_strided_slice %exp3A_586 {offsets = [48, 0], sizes = [8, 512], strides = [1, 1]} : vector<200x512xf32> to vector<8x512xf32>
    %add3A_614 = arith.addf %add3A_610, %slice3A_613 : vector<8x512xf32>
    %slice3A_615 = vector.extract_strided_slice %exp3A_582 {offsets = [56, 0], sizes = [8, 512], strides = [1, 1]} : vector<200x512xf32> to vector<8x512xf32>
    %add3A_616 = arith.addf %add3A_612, %slice3A_615 : vector<8x512xf32>
    %slice3A_617 = vector.extract_strided_slice %exp3A_586 {offsets = [56, 0], sizes = [8, 512], strides = [1, 1]} : vector<200x512xf32> to vector<8x512xf32>
    %add3A_618 = arith.addf %add3A_614, %slice3A_617 : vector<8x512xf32>
    %slice3A_619 = vector.extract_strided_slice %exp3A_582 {offsets = [64, 0], sizes = [8, 512], strides = [1, 1]} : vector<200x512xf32> to vector<8x512xf32>
    %add3A_620 = arith.addf %add3A_616, %slice3A_619 : vector<8x512xf32>
    %slice3A_621 = vector.extract_strided_slice %exp3A_586 {offsets = [64, 0], sizes = [8, 512], strides = [1, 1]} : vector<200x512xf32> to vector<8x512xf32>
    %add3A_622 = arith.addf %add3A_618, %slice3A_621 : vector<8x512xf32>
    %slice3A_623 = vector.extract_strided_slice %exp3A_582 {offsets = [72, 0], sizes = [8, 512], strides = [1, 1]} : vector<200x512xf32> to vector<8x512xf32>
    %add3A_624 = arith.addf %add3A_620, %slice3A_623 : vector<8x512xf32>
    %slice3A_625 = vector.extract_strided_slice %exp3A_586 {offsets = [72, 0], sizes = [8, 512], strides = [1, 1]} : vector<200x512xf32> to vector<8x512xf32>
    %add3A_626 = arith.addf %add3A_622, %slice3A_625 : vector<8x512xf32>
    %slice3A_627 = vector.extract_strided_slice %exp3A_582 {offsets = [80, 0], sizes = [8, 512], strides = [1, 1]} : vector<200x512xf32> to vector<8x512xf32>
    %add3A_628 = arith.addf %add3A_624, %slice3A_627 : vector<8x512xf32>
    %slice3A_629 = vector.extract_strided_slice %exp3A_586 {offsets = [80, 0], sizes = [8, 512], strides = [1, 1]} : vector<200x512xf32> to vector<8x512xf32>
    %add3A_630 = arith.addf %add3A_626, %slice3A_629 : vector<8x512xf32>
    %slice3A_631 = vector.extract_strided_slice %exp3A_582 {offsets = [88, 0], sizes = [8, 512], strides = [1, 1]} : vector<200x512xf32> to vector<8x512xf32>
    %add3A_632 = arith.addf %add3A_628, %slice3A_631 : vector<8x512xf32>
    %slice3A_633 = vector.extract_strided_slice %exp3A_586 {offsets = [88, 0], sizes = [8, 512], strides = [1, 1]} : vector<200x512xf32> to vector<8x512xf32>
    %add3A_634 = arith.addf %add3A_630, %slice3A_633 : vector<8x512xf32>
    %slice3A_635 = vector.extract_strided_slice %exp3A_582 {offsets = [96, 0], sizes = [8, 512], strides = [1, 1]} : vector<200x512xf32> to vector<8x512xf32>
    %add3A_636 = arith.addf %add3A_632, %slice3A_635 : vector<8x512xf32>
    %slice3A_637 = vector.extract_strided_slice %exp3A_586 {offsets = [96, 0], sizes = [8, 512], strides = [1, 1]} : vector<200x512xf32> to vector<8x512xf32>
    %add3A_638 = arith.addf %add3A_634, %slice3A_637 : vector<8x512xf32>
    %slice3A_639 = vector.extract_strided_slice %exp3A_582 {offsets = [104, 0], sizes = [8, 512], strides = [1, 1]} : vector<200x512xf32> to vector<8x512xf32>
    %add3A_640 = arith.addf %add3A_636, %slice3A_639 : vector<8x512xf32>
    %slice3A_641 = vector.extract_strided_slice %exp3A_586 {offsets = [104, 0], sizes = [8, 512], strides = [1, 1]} : vector<200x512xf32> to vector<8x512xf32>
    %add3A_642 = arith.addf %add3A_638, %slice3A_641 : vector<8x512xf32>
    %slice3A_643 = vector.extract_strided_slice %exp3A_582 {offsets = [112, 0], sizes = [8, 512], strides = [1, 1]} : vector<200x512xf32> to vector<8x512xf32>
    %add3A_644 = arith.addf %add3A_640, %slice3A_643 : vector<8x512xf32>
    %slice3A_645 = vector.extract_strided_slice %exp3A_586 {offsets = [112, 0], sizes = [8, 512], strides = [1, 1]} : vector<200x512xf32> to vector<8x512xf32>
    %add3A_646 = arith.addf %add3A_642, %slice3A_645 : vector<8x512xf32>
    %slice3A_647 = vector.extract_strided_slice %exp3A_582 {offsets = [120, 0], sizes = [8, 512], strides = [1, 1]} : vector<200x512xf32> to vector<8x512xf32>
    %add3A_648 = arith.addf %add3A_644, %slice3A_647 : vector<8x512xf32>
    %slice3A_649 = vector.extract_strided_slice %exp3A_586 {offsets = [120, 0], sizes = [8, 512], strides = [1, 1]} : vector<200x512xf32> to vector<8x512xf32>
    %add3A_650 = arith.addf %add3A_646, %slice3A_649 : vector<8x512xf32>
    %slice3A_651 = vector.extract_strided_slice %exp3A_582 {offsets = [128, 0], sizes = [8, 512], strides = [1, 1]} : vector<200x512xf32> to vector<8x512xf32>
    %add3A_652 = arith.addf %add3A_648, %slice3A_651 : vector<8x512xf32>
    %slice3A_653 = vector.extract_strided_slice %exp3A_586 {offsets = [128, 0], sizes = [8, 512], strides = [1, 1]} : vector<200x512xf32> to vector<8x512xf32>
    %add3A_654 = arith.addf %add3A_650, %slice3A_653 : vector<8x512xf32>
    %slice3A_655 = vector.extract_strided_slice %exp3A_582 {offsets = [136, 0], sizes = [8, 512], strides = [1, 1]} : vector<200x512xf32> to vector<8x512xf32>
    %add3A_656 = arith.addf %add3A_652, %slice3A_655 : vector<8x512xf32>
    %slice3A_657 = vector.extract_strided_slice %exp3A_586 {offsets = [136, 0], sizes = [8, 512], strides = [1, 1]} : vector<200x512xf32> to vector<8x512xf32>
    %add3A_658 = arith.addf %add3A_654, %slice3A_657 : vector<8x512xf32>
    %slice3A_659 = vector.extract_strided_slice %exp3A_582 {offsets = [144, 0], sizes = [8, 512], strides = [1, 1]} : vector<200x512xf32> to vector<8x512xf32>
    %add3A_660 = arith.addf %add3A_656, %slice3A_659 : vector<8x512xf32>
    %slice3A_661 = vector.extract_strided_slice %exp3A_586 {offsets = [144, 0], sizes = [8, 512], strides = [1, 1]} : vector<200x512xf32> to vector<8x512xf32>
    %add3A_662 = arith.addf %add3A_658, %slice3A_661 : vector<8x512xf32>
    %slice3A_663 = vector.extract_strided_slice %exp3A_582 {offsets = [152, 0], sizes = [8, 512], strides = [1, 1]} : vector<200x512xf32> to vector<8x512xf32>
    %add3A_664 = arith.addf %add3A_660, %slice3A_663 : vector<8x512xf32>
    %slice3A_665 = vector.extract_strided_slice %exp3A_586 {offsets = [152, 0], sizes = [8, 512], strides = [1, 1]} : vector<200x512xf32> to vector<8x512xf32>
    %add3A_666 = arith.addf %add3A_662, %slice3A_665 : vector<8x512xf32>
    %slice3A_667 = vector.extract_strided_slice %exp3A_582 {offsets = [160, 0], sizes = [8, 512], strides = [1, 1]} : vector<200x512xf32> to vector<8x512xf32>
    %add3A_668 = arith.addf %add3A_664, %slice3A_667 : vector<8x512xf32>
    %slice3A_669 = vector.extract_strided_slice %exp3A_586 {offsets = [160, 0], sizes = [8, 512], strides = [1, 1]} : vector<200x512xf32> to vector<8x512xf32>
    %add3A_670 = arith.addf %add3A_666, %slice3A_669 : vector<8x512xf32>
    %slice3A_671 = vector.extract_strided_slice %exp3A_582 {offsets = [168, 0], sizes = [8, 512], strides = [1, 1]} : vector<200x512xf32> to vector<8x512xf32>
    %add3A_672 = arith.addf %add3A_668, %slice3A_671 : vector<8x512xf32>
    %slice3A_673 = vector.extract_strided_slice %exp3A_586 {offsets = [168, 0], sizes = [8, 512], strides = [1, 1]} : vector<200x512xf32> to vector<8x512xf32>
    %add3A_674 = arith.addf %add3A_670, %slice3A_673 : vector<8x512xf32>
    %slice3A_675 = vector.extract_strided_slice %exp3A_582 {offsets = [176, 0], sizes = [8, 512], strides = [1, 1]} : vector<200x512xf32> to vector<8x512xf32>
    %add3A_676 = arith.addf %add3A_672, %slice3A_675 : vector<8x512xf32>
    %slice3A_677 = vector.extract_strided_slice %exp3A_586 {offsets = [176, 0], sizes = [8, 512], strides = [1, 1]} : vector<200x512xf32> to vector<8x512xf32>
    %add3A_678 = arith.addf %add3A_674, %slice3A_677 : vector<8x512xf32>
    %slice3A_679 = vector.extract_strided_slice %exp3A_582 {offsets = [184, 0], sizes = [8, 512], strides = [1, 1]} : vector<200x512xf32> to vector<8x512xf32>
    %add3A_680 = arith.addf %add3A_676, %slice3A_679 : vector<8x512xf32>
    %slice3A_681 = vector.extract_strided_slice %exp3A_586 {offsets = [184, 0], sizes = [8, 512], strides = [1, 1]} : vector<200x512xf32> to vector<8x512xf32>
    %add3A_682 = arith.addf %add3A_678, %slice3A_681 : vector<8x512xf32>
    %slice3A_683 = vector.extract_strided_slice %exp3A_582 {offsets = [192, 0], sizes = [8, 512], strides = [1, 1]} : vector<200x512xf32> to vector<8x512xf32>
    %add3A_684 = arith.addf %add3A_680, %slice3A_683 : vector<8x512xf32>
    %slice3A_685 = vector.extract_strided_slice %exp3A_586 {offsets = [192, 0], sizes = [8, 512], strides = [1, 1]} : vector<200x512xf32> to vector<8x512xf32>
    %add3A_686 = arith.addf %add3A_682, %slice3A_685 : vector<8x512xf32>
    %get3A_687 = arith.constant 1200 : index
    %get3A_688 = arith.constant 0 : index
    %get3A_689 = vector.load %arg2[%get3A_687, %get3A_688] : memref<2000x512xf32, #tpu.memory_space<vmem>>, vector<200x512xf32>
    %get3A_690 = arith.constant 1200 : index
    %get3A_691 = arith.constant 0 : index
    %get3A_692 = vector.load %arg3[%get3A_690, %get3A_691] : memref<2000x512xf32, #tpu.memory_space<vmem>>, vector<200x512xf32>
    %mul3A_693 = arith.constant 6.400000e+01 : f32
    %mul3A_694 = vector.broadcast %mul3A_693 : f32 to vector<200x512xf32>
    %mul3A_695 = arith.mulf %get3A_689, %mul3A_694 : vector<200x512xf32>
    %exp3A_696 = math.exp %mul3A_695 : vector<200x512xf32>
    %mul3A_697 = arith.constant 6.400000e+01 : f32
    %mul3A_698 = vector.broadcast %mul3A_697 : f32 to vector<200x512xf32>
    %mul3A_699 = arith.mulf %get3A_692, %mul3A_698 : vector<200x512xf32>
    %exp3A_700 = math.exp %mul3A_699 : vector<200x512xf32>
    %slice3A_701 = vector.extract_strided_slice %exp3A_696 {offsets = [0, 0], sizes = [8, 512], strides = [1, 1]} : vector<200x512xf32> to vector<8x512xf32>
    %add3A_702 = arith.addf %add3A_684, %slice3A_701 : vector<8x512xf32>
    %slice3A_703 = vector.extract_strided_slice %exp3A_700 {offsets = [0, 0], sizes = [8, 512], strides = [1, 1]} : vector<200x512xf32> to vector<8x512xf32>
    %add3A_704 = arith.addf %add3A_686, %slice3A_703 : vector<8x512xf32>
    %slice3A_705 = vector.extract_strided_slice %exp3A_696 {offsets = [8, 0], sizes = [8, 512], strides = [1, 1]} : vector<200x512xf32> to vector<8x512xf32>
    %add3A_706 = arith.addf %add3A_702, %slice3A_705 : vector<8x512xf32>
    %slice3A_707 = vector.extract_strided_slice %exp3A_700 {offsets = [8, 0], sizes = [8, 512], strides = [1, 1]} : vector<200x512xf32> to vector<8x512xf32>
    %add3A_708 = arith.addf %add3A_704, %slice3A_707 : vector<8x512xf32>
    %slice3A_709 = vector.extract_strided_slice %exp3A_696 {offsets = [16, 0], sizes = [8, 512], strides = [1, 1]} : vector<200x512xf32> to vector<8x512xf32>
    %add3A_710 = arith.addf %add3A_706, %slice3A_709 : vector<8x512xf32>
    %slice3A_711 = vector.extract_strided_slice %exp3A_700 {offsets = [16, 0], sizes = [8, 512], strides = [1, 1]} : vector<200x512xf32> to vector<8x512xf32>
    %add3A_712 = arith.addf %add3A_708, %slice3A_711 : vector<8x512xf32>
    %slice3A_713 = vector.extract_strided_slice %exp3A_696 {offsets = [24, 0], sizes = [8, 512], strides = [1, 1]} : vector<200x512xf32> to vector<8x512xf32>
    %add3A_714 = arith.addf %add3A_710, %slice3A_713 : vector<8x512xf32>
    %slice3A_715 = vector.extract_strided_slice %exp3A_700 {offsets = [24, 0], sizes = [8, 512], strides = [1, 1]} : vector<200x512xf32> to vector<8x512xf32>
    %add3A_716 = arith.addf %add3A_712, %slice3A_715 : vector<8x512xf32>
    %slice3A_717 = vector.extract_strided_slice %exp3A_696 {offsets = [32, 0], sizes = [8, 512], strides = [1, 1]} : vector<200x512xf32> to vector<8x512xf32>
    %add3A_718 = arith.addf %add3A_714, %slice3A_717 : vector<8x512xf32>
    %slice3A_719 = vector.extract_strided_slice %exp3A_700 {offsets = [32, 0], sizes = [8, 512], strides = [1, 1]} : vector<200x512xf32> to vector<8x512xf32>
    %add3A_720 = arith.addf %add3A_716, %slice3A_719 : vector<8x512xf32>
    %slice3A_721 = vector.extract_strided_slice %exp3A_696 {offsets = [40, 0], sizes = [8, 512], strides = [1, 1]} : vector<200x512xf32> to vector<8x512xf32>
    %add3A_722 = arith.addf %add3A_718, %slice3A_721 : vector<8x512xf32>
    %slice3A_723 = vector.extract_strided_slice %exp3A_700 {offsets = [40, 0], sizes = [8, 512], strides = [1, 1]} : vector<200x512xf32> to vector<8x512xf32>
    %add3A_724 = arith.addf %add3A_720, %slice3A_723 : vector<8x512xf32>
    %slice3A_725 = vector.extract_strided_slice %exp3A_696 {offsets = [48, 0], sizes = [8, 512], strides = [1, 1]} : vector<200x512xf32> to vector<8x512xf32>
    %add3A_726 = arith.addf %add3A_722, %slice3A_725 : vector<8x512xf32>
    %slice3A_727 = vector.extract_strided_slice %exp3A_700 {offsets = [48, 0], sizes = [8, 512], strides = [1, 1]} : vector<200x512xf32> to vector<8x512xf32>
    %add3A_728 = arith.addf %add3A_724, %slice3A_727 : vector<8x512xf32>
    %slice3A_729 = vector.extract_strided_slice %exp3A_696 {offsets = [56, 0], sizes = [8, 512], strides = [1, 1]} : vector<200x512xf32> to vector<8x512xf32>
    %add3A_730 = arith.addf %add3A_726, %slice3A_729 : vector<8x512xf32>
    %slice3A_731 = vector.extract_strided_slice %exp3A_700 {offsets = [56, 0], sizes = [8, 512], strides = [1, 1]} : vector<200x512xf32> to vector<8x512xf32>
    %add3A_732 = arith.addf %add3A_728, %slice3A_731 : vector<8x512xf32>
    %slice3A_733 = vector.extract_strided_slice %exp3A_696 {offsets = [64, 0], sizes = [8, 512], strides = [1, 1]} : vector<200x512xf32> to vector<8x512xf32>
    %add3A_734 = arith.addf %add3A_730, %slice3A_733 : vector<8x512xf32>
    %slice3A_735 = vector.extract_strided_slice %exp3A_700 {offsets = [64, 0], sizes = [8, 512], strides = [1, 1]} : vector<200x512xf32> to vector<8x512xf32>
    %add3A_736 = arith.addf %add3A_732, %slice3A_735 : vector<8x512xf32>
    %slice3A_737 = vector.extract_strided_slice %exp3A_696 {offsets = [72, 0], sizes = [8, 512], strides = [1, 1]} : vector<200x512xf32> to vector<8x512xf32>
    %add3A_738 = arith.addf %add3A_734, %slice3A_737 : vector<8x512xf32>
    %slice3A_739 = vector.extract_strided_slice %exp3A_700 {offsets = [72, 0], sizes = [8, 512], strides = [1, 1]} : vector<200x512xf32> to vector<8x512xf32>
    %add3A_740 = arith.addf %add3A_736, %slice3A_739 : vector<8x512xf32>
    %slice3A_741 = vector.extract_strided_slice %exp3A_696 {offsets = [80, 0], sizes = [8, 512], strides = [1, 1]} : vector<200x512xf32> to vector<8x512xf32>
    %add3A_742 = arith.addf %add3A_738, %slice3A_741 : vector<8x512xf32>
    %slice3A_743 = vector.extract_strided_slice %exp3A_700 {offsets = [80, 0], sizes = [8, 512], strides = [1, 1]} : vector<200x512xf32> to vector<8x512xf32>
    %add3A_744 = arith.addf %add3A_740, %slice3A_743 : vector<8x512xf32>
    %slice3A_745 = vector.extract_strided_slice %exp3A_696 {offsets = [88, 0], sizes = [8, 512], strides = [1, 1]} : vector<200x512xf32> to vector<8x512xf32>
    %add3A_746 = arith.addf %add3A_742, %slice3A_745 : vector<8x512xf32>
    %slice3A_747 = vector.extract_strided_slice %exp3A_700 {offsets = [88, 0], sizes = [8, 512], strides = [1, 1]} : vector<200x512xf32> to vector<8x512xf32>
    %add3A_748 = arith.addf %add3A_744, %slice3A_747 : vector<8x512xf32>
    %slice3A_749 = vector.extract_strided_slice %exp3A_696 {offsets = [96, 0], sizes = [8, 512], strides = [1, 1]} : vector<200x512xf32> to vector<8x512xf32>
    %add3A_750 = arith.addf %add3A_746, %slice3A_749 : vector<8x512xf32>
    %slice3A_751 = vector.extract_strided_slice %exp3A_700 {offsets = [96, 0], sizes = [8, 512], strides = [1, 1]} : vector<200x512xf32> to vector<8x512xf32>
    %add3A_752 = arith.addf %add3A_748, %slice3A_751 : vector<8x512xf32>
    %slice3A_753 = vector.extract_strided_slice %exp3A_696 {offsets = [104, 0], sizes = [8, 512], strides = [1, 1]} : vector<200x512xf32> to vector<8x512xf32>
    %add3A_754 = arith.addf %add3A_750, %slice3A_753 : vector<8x512xf32>
    %slice3A_755 = vector.extract_strided_slice %exp3A_700 {offsets = [104, 0], sizes = [8, 512], strides = [1, 1]} : vector<200x512xf32> to vector<8x512xf32>
    %add3A_756 = arith.addf %add3A_752, %slice3A_755 : vector<8x512xf32>
    %slice3A_757 = vector.extract_strided_slice %exp3A_696 {offsets = [112, 0], sizes = [8, 512], strides = [1, 1]} : vector<200x512xf32> to vector<8x512xf32>
    %add3A_758 = arith.addf %add3A_754, %slice3A_757 : vector<8x512xf32>
    %slice3A_759 = vector.extract_strided_slice %exp3A_700 {offsets = [112, 0], sizes = [8, 512], strides = [1, 1]} : vector<200x512xf32> to vector<8x512xf32>
    %add3A_760 = arith.addf %add3A_756, %slice3A_759 : vector<8x512xf32>
    %slice3A_761 = vector.extract_strided_slice %exp3A_696 {offsets = [120, 0], sizes = [8, 512], strides = [1, 1]} : vector<200x512xf32> to vector<8x512xf32>
    %add3A_762 = arith.addf %add3A_758, %slice3A_761 : vector<8x512xf32>
    %slice3A_763 = vector.extract_strided_slice %exp3A_700 {offsets = [120, 0], sizes = [8, 512], strides = [1, 1]} : vector<200x512xf32> to vector<8x512xf32>
    %add3A_764 = arith.addf %add3A_760, %slice3A_763 : vector<8x512xf32>
    %slice3A_765 = vector.extract_strided_slice %exp3A_696 {offsets = [128, 0], sizes = [8, 512], strides = [1, 1]} : vector<200x512xf32> to vector<8x512xf32>
    %add3A_766 = arith.addf %add3A_762, %slice3A_765 : vector<8x512xf32>
    %slice3A_767 = vector.extract_strided_slice %exp3A_700 {offsets = [128, 0], sizes = [8, 512], strides = [1, 1]} : vector<200x512xf32> to vector<8x512xf32>
    %add3A_768 = arith.addf %add3A_764, %slice3A_767 : vector<8x512xf32>
    %slice3A_769 = vector.extract_strided_slice %exp3A_696 {offsets = [136, 0], sizes = [8, 512], strides = [1, 1]} : vector<200x512xf32> to vector<8x512xf32>
    %add3A_770 = arith.addf %add3A_766, %slice3A_769 : vector<8x512xf32>
    %slice3A_771 = vector.extract_strided_slice %exp3A_700 {offsets = [136, 0], sizes = [8, 512], strides = [1, 1]} : vector<200x512xf32> to vector<8x512xf32>
    %add3A_772 = arith.addf %add3A_768, %slice3A_771 : vector<8x512xf32>
    %slice3A_773 = vector.extract_strided_slice %exp3A_696 {offsets = [144, 0], sizes = [8, 512], strides = [1, 1]} : vector<200x512xf32> to vector<8x512xf32>
    %add3A_774 = arith.addf %add3A_770, %slice3A_773 : vector<8x512xf32>
    %slice3A_775 = vector.extract_strided_slice %exp3A_700 {offsets = [144, 0], sizes = [8, 512], strides = [1, 1]} : vector<200x512xf32> to vector<8x512xf32>
    %add3A_776 = arith.addf %add3A_772, %slice3A_775 : vector<8x512xf32>
    %slice3A_777 = vector.extract_strided_slice %exp3A_696 {offsets = [152, 0], sizes = [8, 512], strides = [1, 1]} : vector<200x512xf32> to vector<8x512xf32>
    %add3A_778 = arith.addf %add3A_774, %slice3A_777 : vector<8x512xf32>
    %slice3A_779 = vector.extract_strided_slice %exp3A_700 {offsets = [152, 0], sizes = [8, 512], strides = [1, 1]} : vector<200x512xf32> to vector<8x512xf32>
    %add3A_780 = arith.addf %add3A_776, %slice3A_779 : vector<8x512xf32>
    %slice3A_781 = vector.extract_strided_slice %exp3A_696 {offsets = [160, 0], sizes = [8, 512], strides = [1, 1]} : vector<200x512xf32> to vector<8x512xf32>
    %add3A_782 = arith.addf %add3A_778, %slice3A_781 : vector<8x512xf32>
    %slice3A_783 = vector.extract_strided_slice %exp3A_700 {offsets = [160, 0], sizes = [8, 512], strides = [1, 1]} : vector<200x512xf32> to vector<8x512xf32>
    %add3A_784 = arith.addf %add3A_780, %slice3A_783 : vector<8x512xf32>
    %slice3A_785 = vector.extract_strided_slice %exp3A_696 {offsets = [168, 0], sizes = [8, 512], strides = [1, 1]} : vector<200x512xf32> to vector<8x512xf32>
    %add3A_786 = arith.addf %add3A_782, %slice3A_785 : vector<8x512xf32>
    %slice3A_787 = vector.extract_strided_slice %exp3A_700 {offsets = [168, 0], sizes = [8, 512], strides = [1, 1]} : vector<200x512xf32> to vector<8x512xf32>
    %add3A_788 = arith.addf %add3A_784, %slice3A_787 : vector<8x512xf32>
    %slice3A_789 = vector.extract_strided_slice %exp3A_696 {offsets = [176, 0], sizes = [8, 512], strides = [1, 1]} : vector<200x512xf32> to vector<8x512xf32>
    %add3A_790 = arith.addf %add3A_786, %slice3A_789 : vector<8x512xf32>
    %slice3A_791 = vector.extract_strided_slice %exp3A_700 {offsets = [176, 0], sizes = [8, 512], strides = [1, 1]} : vector<200x512xf32> to vector<8x512xf32>
    %add3A_792 = arith.addf %add3A_788, %slice3A_791 : vector<8x512xf32>
    %slice3A_793 = vector.extract_strided_slice %exp3A_696 {offsets = [184, 0], sizes = [8, 512], strides = [1, 1]} : vector<200x512xf32> to vector<8x512xf32>
    %add3A_794 = arith.addf %add3A_790, %slice3A_793 : vector<8x512xf32>
    %slice3A_795 = vector.extract_strided_slice %exp3A_700 {offsets = [184, 0], sizes = [8, 512], strides = [1, 1]} : vector<200x512xf32> to vector<8x512xf32>
    %add3A_796 = arith.addf %add3A_792, %slice3A_795 : vector<8x512xf32>
    %slice3A_797 = vector.extract_strided_slice %exp3A_696 {offsets = [192, 0], sizes = [8, 512], strides = [1, 1]} : vector<200x512xf32> to vector<8x512xf32>
    %add3A_798 = arith.addf %add3A_794, %slice3A_797 : vector<8x512xf32>
    %slice3A_799 = vector.extract_strided_slice %exp3A_700 {offsets = [192, 0], sizes = [8, 512], strides = [1, 1]} : vector<200x512xf32> to vector<8x512xf32>
    %add3A_800 = arith.addf %add3A_796, %slice3A_799 : vector<8x512xf32>
    %get3A_801 = arith.constant 1400 : index
    %get3A_802 = arith.constant 0 : index
    %get3A_803 = vector.load %arg2[%get3A_801, %get3A_802] : memref<2000x512xf32, #tpu.memory_space<vmem>>, vector<200x512xf32>
    %get3A_804 = arith.constant 1400 : index
    %get3A_805 = arith.constant 0 : index
    %get3A_806 = vector.load %arg3[%get3A_804, %get3A_805] : memref<2000x512xf32, #tpu.memory_space<vmem>>, vector<200x512xf32>
    %mul3A_807 = arith.constant 6.400000e+01 : f32
    %mul3A_808 = vector.broadcast %mul3A_807 : f32 to vector<200x512xf32>
    %mul3A_809 = arith.mulf %get3A_803, %mul3A_808 : vector<200x512xf32>
    %exp3A_810 = math.exp %mul3A_809 : vector<200x512xf32>
    %mul3A_811 = arith.constant 6.400000e+01 : f32
    %mul3A_812 = vector.broadcast %mul3A_811 : f32 to vector<200x512xf32>
    %mul3A_813 = arith.mulf %get3A_806, %mul3A_812 : vector<200x512xf32>
    %exp3A_814 = math.exp %mul3A_813 : vector<200x512xf32>
    %slice3A_815 = vector.extract_strided_slice %exp3A_810 {offsets = [0, 0], sizes = [8, 512], strides = [1, 1]} : vector<200x512xf32> to vector<8x512xf32>
    %add3A_816 = arith.addf %add3A_798, %slice3A_815 : vector<8x512xf32>
    %slice3A_817 = vector.extract_strided_slice %exp3A_814 {offsets = [0, 0], sizes = [8, 512], strides = [1, 1]} : vector<200x512xf32> to vector<8x512xf32>
    %add3A_818 = arith.addf %add3A_800, %slice3A_817 : vector<8x512xf32>
    %slice3A_819 = vector.extract_strided_slice %exp3A_810 {offsets = [8, 0], sizes = [8, 512], strides = [1, 1]} : vector<200x512xf32> to vector<8x512xf32>
    %add3A_820 = arith.addf %add3A_816, %slice3A_819 : vector<8x512xf32>
    %slice3A_821 = vector.extract_strided_slice %exp3A_814 {offsets = [8, 0], sizes = [8, 512], strides = [1, 1]} : vector<200x512xf32> to vector<8x512xf32>
    %add3A_822 = arith.addf %add3A_818, %slice3A_821 : vector<8x512xf32>
    %slice3A_823 = vector.extract_strided_slice %exp3A_810 {offsets = [16, 0], sizes = [8, 512], strides = [1, 1]} : vector<200x512xf32> to vector<8x512xf32>
    %add3A_824 = arith.addf %add3A_820, %slice3A_823 : vector<8x512xf32>
    %slice3A_825 = vector.extract_strided_slice %exp3A_814 {offsets = [16, 0], sizes = [8, 512], strides = [1, 1]} : vector<200x512xf32> to vector<8x512xf32>
    %add3A_826 = arith.addf %add3A_822, %slice3A_825 : vector<8x512xf32>
    %slice3A_827 = vector.extract_strided_slice %exp3A_810 {offsets = [24, 0], sizes = [8, 512], strides = [1, 1]} : vector<200x512xf32> to vector<8x512xf32>
    %add3A_828 = arith.addf %add3A_824, %slice3A_827 : vector<8x512xf32>
    %slice3A_829 = vector.extract_strided_slice %exp3A_814 {offsets = [24, 0], sizes = [8, 512], strides = [1, 1]} : vector<200x512xf32> to vector<8x512xf32>
    %add3A_830 = arith.addf %add3A_826, %slice3A_829 : vector<8x512xf32>
    %slice3A_831 = vector.extract_strided_slice %exp3A_810 {offsets = [32, 0], sizes = [8, 512], strides = [1, 1]} : vector<200x512xf32> to vector<8x512xf32>
    %add3A_832 = arith.addf %add3A_828, %slice3A_831 : vector<8x512xf32>
    %slice3A_833 = vector.extract_strided_slice %exp3A_814 {offsets = [32, 0], sizes = [8, 512], strides = [1, 1]} : vector<200x512xf32> to vector<8x512xf32>
    %add3A_834 = arith.addf %add3A_830, %slice3A_833 : vector<8x512xf32>
    %slice3A_835 = vector.extract_strided_slice %exp3A_810 {offsets = [40, 0], sizes = [8, 512], strides = [1, 1]} : vector<200x512xf32> to vector<8x512xf32>
    %add3A_836 = arith.addf %add3A_832, %slice3A_835 : vector<8x512xf32>
    %slice3A_837 = vector.extract_strided_slice %exp3A_814 {offsets = [40, 0], sizes = [8, 512], strides = [1, 1]} : vector<200x512xf32> to vector<8x512xf32>
    %add3A_838 = arith.addf %add3A_834, %slice3A_837 : vector<8x512xf32>
    %slice3A_839 = vector.extract_strided_slice %exp3A_810 {offsets = [48, 0], sizes = [8, 512], strides = [1, 1]} : vector<200x512xf32> to vector<8x512xf32>
    %add3A_840 = arith.addf %add3A_836, %slice3A_839 : vector<8x512xf32>
    %slice3A_841 = vector.extract_strided_slice %exp3A_814 {offsets = [48, 0], sizes = [8, 512], strides = [1, 1]} : vector<200x512xf32> to vector<8x512xf32>
    %add3A_842 = arith.addf %add3A_838, %slice3A_841 : vector<8x512xf32>
    %slice3A_843 = vector.extract_strided_slice %exp3A_810 {offsets = [56, 0], sizes = [8, 512], strides = [1, 1]} : vector<200x512xf32> to vector<8x512xf32>
    %add3A_844 = arith.addf %add3A_840, %slice3A_843 : vector<8x512xf32>
    %slice3A_845 = vector.extract_strided_slice %exp3A_814 {offsets = [56, 0], sizes = [8, 512], strides = [1, 1]} : vector<200x512xf32> to vector<8x512xf32>
    %add3A_846 = arith.addf %add3A_842, %slice3A_845 : vector<8x512xf32>
    %slice3A_847 = vector.extract_strided_slice %exp3A_810 {offsets = [64, 0], sizes = [8, 512], strides = [1, 1]} : vector<200x512xf32> to vector<8x512xf32>
    %add3A_848 = arith.addf %add3A_844, %slice3A_847 : vector<8x512xf32>
    %slice3A_849 = vector.extract_strided_slice %exp3A_814 {offsets = [64, 0], sizes = [8, 512], strides = [1, 1]} : vector<200x512xf32> to vector<8x512xf32>
    %add3A_850 = arith.addf %add3A_846, %slice3A_849 : vector<8x512xf32>
    %slice3A_851 = vector.extract_strided_slice %exp3A_810 {offsets = [72, 0], sizes = [8, 512], strides = [1, 1]} : vector<200x512xf32> to vector<8x512xf32>
    %add3A_852 = arith.addf %add3A_848, %slice3A_851 : vector<8x512xf32>
    %slice3A_853 = vector.extract_strided_slice %exp3A_814 {offsets = [72, 0], sizes = [8, 512], strides = [1, 1]} : vector<200x512xf32> to vector<8x512xf32>
    %add3A_854 = arith.addf %add3A_850, %slice3A_853 : vector<8x512xf32>
    %slice3A_855 = vector.extract_strided_slice %exp3A_810 {offsets = [80, 0], sizes = [8, 512], strides = [1, 1]} : vector<200x512xf32> to vector<8x512xf32>
    %add3A_856 = arith.addf %add3A_852, %slice3A_855 : vector<8x512xf32>
    %slice3A_857 = vector.extract_strided_slice %exp3A_814 {offsets = [80, 0], sizes = [8, 512], strides = [1, 1]} : vector<200x512xf32> to vector<8x512xf32>
    %add3A_858 = arith.addf %add3A_854, %slice3A_857 : vector<8x512xf32>
    %slice3A_859 = vector.extract_strided_slice %exp3A_810 {offsets = [88, 0], sizes = [8, 512], strides = [1, 1]} : vector<200x512xf32> to vector<8x512xf32>
    %add3A_860 = arith.addf %add3A_856, %slice3A_859 : vector<8x512xf32>
    %slice3A_861 = vector.extract_strided_slice %exp3A_814 {offsets = [88, 0], sizes = [8, 512], strides = [1, 1]} : vector<200x512xf32> to vector<8x512xf32>
    %add3A_862 = arith.addf %add3A_858, %slice3A_861 : vector<8x512xf32>
    %slice3A_863 = vector.extract_strided_slice %exp3A_810 {offsets = [96, 0], sizes = [8, 512], strides = [1, 1]} : vector<200x512xf32> to vector<8x512xf32>
    %add3A_864 = arith.addf %add3A_860, %slice3A_863 : vector<8x512xf32>
    %slice3A_865 = vector.extract_strided_slice %exp3A_814 {offsets = [96, 0], sizes = [8, 512], strides = [1, 1]} : vector<200x512xf32> to vector<8x512xf32>
    %add3A_866 = arith.addf %add3A_862, %slice3A_865 : vector<8x512xf32>
    %slice3A_867 = vector.extract_strided_slice %exp3A_810 {offsets = [104, 0], sizes = [8, 512], strides = [1, 1]} : vector<200x512xf32> to vector<8x512xf32>
    %add3A_868 = arith.addf %add3A_864, %slice3A_867 : vector<8x512xf32>
    %slice3A_869 = vector.extract_strided_slice %exp3A_814 {offsets = [104, 0], sizes = [8, 512], strides = [1, 1]} : vector<200x512xf32> to vector<8x512xf32>
    %add3A_870 = arith.addf %add3A_866, %slice3A_869 : vector<8x512xf32>
    %slice3A_871 = vector.extract_strided_slice %exp3A_810 {offsets = [112, 0], sizes = [8, 512], strides = [1, 1]} : vector<200x512xf32> to vector<8x512xf32>
    %add3A_872 = arith.addf %add3A_868, %slice3A_871 : vector<8x512xf32>
    %slice3A_873 = vector.extract_strided_slice %exp3A_814 {offsets = [112, 0], sizes = [8, 512], strides = [1, 1]} : vector<200x512xf32> to vector<8x512xf32>
    %add3A_874 = arith.addf %add3A_870, %slice3A_873 : vector<8x512xf32>
    %slice3A_875 = vector.extract_strided_slice %exp3A_810 {offsets = [120, 0], sizes = [8, 512], strides = [1, 1]} : vector<200x512xf32> to vector<8x512xf32>
    %add3A_876 = arith.addf %add3A_872, %slice3A_875 : vector<8x512xf32>
    %slice3A_877 = vector.extract_strided_slice %exp3A_814 {offsets = [120, 0], sizes = [8, 512], strides = [1, 1]} : vector<200x512xf32> to vector<8x512xf32>
    %add3A_878 = arith.addf %add3A_874, %slice3A_877 : vector<8x512xf32>
    %slice3A_879 = vector.extract_strided_slice %exp3A_810 {offsets = [128, 0], sizes = [8, 512], strides = [1, 1]} : vector<200x512xf32> to vector<8x512xf32>
    %add3A_880 = arith.addf %add3A_876, %slice3A_879 : vector<8x512xf32>
    %slice3A_881 = vector.extract_strided_slice %exp3A_814 {offsets = [128, 0], sizes = [8, 512], strides = [1, 1]} : vector<200x512xf32> to vector<8x512xf32>
    %add3A_882 = arith.addf %add3A_878, %slice3A_881 : vector<8x512xf32>
    %slice3A_883 = vector.extract_strided_slice %exp3A_810 {offsets = [136, 0], sizes = [8, 512], strides = [1, 1]} : vector<200x512xf32> to vector<8x512xf32>
    %add3A_884 = arith.addf %add3A_880, %slice3A_883 : vector<8x512xf32>
    %slice3A_885 = vector.extract_strided_slice %exp3A_814 {offsets = [136, 0], sizes = [8, 512], strides = [1, 1]} : vector<200x512xf32> to vector<8x512xf32>
    %add3A_886 = arith.addf %add3A_882, %slice3A_885 : vector<8x512xf32>
    %slice3A_887 = vector.extract_strided_slice %exp3A_810 {offsets = [144, 0], sizes = [8, 512], strides = [1, 1]} : vector<200x512xf32> to vector<8x512xf32>
    %add3A_888 = arith.addf %add3A_884, %slice3A_887 : vector<8x512xf32>
    %slice3A_889 = vector.extract_strided_slice %exp3A_814 {offsets = [144, 0], sizes = [8, 512], strides = [1, 1]} : vector<200x512xf32> to vector<8x512xf32>
    %add3A_890 = arith.addf %add3A_886, %slice3A_889 : vector<8x512xf32>
    %slice3A_891 = vector.extract_strided_slice %exp3A_810 {offsets = [152, 0], sizes = [8, 512], strides = [1, 1]} : vector<200x512xf32> to vector<8x512xf32>
    %add3A_892 = arith.addf %add3A_888, %slice3A_891 : vector<8x512xf32>
    %slice3A_893 = vector.extract_strided_slice %exp3A_814 {offsets = [152, 0], sizes = [8, 512], strides = [1, 1]} : vector<200x512xf32> to vector<8x512xf32>
    %add3A_894 = arith.addf %add3A_890, %slice3A_893 : vector<8x512xf32>
    %slice3A_895 = vector.extract_strided_slice %exp3A_810 {offsets = [160, 0], sizes = [8, 512], strides = [1, 1]} : vector<200x512xf32> to vector<8x512xf32>
    %add3A_896 = arith.addf %add3A_892, %slice3A_895 : vector<8x512xf32>
    %slice3A_897 = vector.extract_strided_slice %exp3A_814 {offsets = [160, 0], sizes = [8, 512], strides = [1, 1]} : vector<200x512xf32> to vector<8x512xf32>
    %add3A_898 = arith.addf %add3A_894, %slice3A_897 : vector<8x512xf32>
    %slice3A_899 = vector.extract_strided_slice %exp3A_810 {offsets = [168, 0], sizes = [8, 512], strides = [1, 1]} : vector<200x512xf32> to vector<8x512xf32>
    %add3A_900 = arith.addf %add3A_896, %slice3A_899 : vector<8x512xf32>
    %slice3A_901 = vector.extract_strided_slice %exp3A_814 {offsets = [168, 0], sizes = [8, 512], strides = [1, 1]} : vector<200x512xf32> to vector<8x512xf32>
    %add3A_902 = arith.addf %add3A_898, %slice3A_901 : vector<8x512xf32>
    %slice3A_903 = vector.extract_strided_slice %exp3A_810 {offsets = [176, 0], sizes = [8, 512], strides = [1, 1]} : vector<200x512xf32> to vector<8x512xf32>
    %add3A_904 = arith.addf %add3A_900, %slice3A_903 : vector<8x512xf32>
    %slice3A_905 = vector.extract_strided_slice %exp3A_814 {offsets = [176, 0], sizes = [8, 512], strides = [1, 1]} : vector<200x512xf32> to vector<8x512xf32>
    %add3A_906 = arith.addf %add3A_902, %slice3A_905 : vector<8x512xf32>
    %slice3A_907 = vector.extract_strided_slice %exp3A_810 {offsets = [184, 0], sizes = [8, 512], strides = [1, 1]} : vector<200x512xf32> to vector<8x512xf32>
    %add3A_908 = arith.addf %add3A_904, %slice3A_907 : vector<8x512xf32>
    %slice3A_909 = vector.extract_strided_slice %exp3A_814 {offsets = [184, 0], sizes = [8, 512], strides = [1, 1]} : vector<200x512xf32> to vector<8x512xf32>
    %add3A_910 = arith.addf %add3A_906, %slice3A_909 : vector<8x512xf32>
    %slice3A_911 = vector.extract_strided_slice %exp3A_810 {offsets = [192, 0], sizes = [8, 512], strides = [1, 1]} : vector<200x512xf32> to vector<8x512xf32>
    %add3A_912 = arith.addf %add3A_908, %slice3A_911 : vector<8x512xf32>
    %slice3A_913 = vector.extract_strided_slice %exp3A_814 {offsets = [192, 0], sizes = [8, 512], strides = [1, 1]} : vector<200x512xf32> to vector<8x512xf32>
    %add3A_914 = arith.addf %add3A_910, %slice3A_913 : vector<8x512xf32>
    %get3A_915 = arith.constant 1600 : index
    %get3A_916 = arith.constant 0 : index
    %get3A_917 = vector.load %arg2[%get3A_915, %get3A_916] : memref<2000x512xf32, #tpu.memory_space<vmem>>, vector<200x512xf32>
    %get3A_918 = arith.constant 1600 : index
    %get3A_919 = arith.constant 0 : index
    %get3A_920 = vector.load %arg3[%get3A_918, %get3A_919] : memref<2000x512xf32, #tpu.memory_space<vmem>>, vector<200x512xf32>
    %mul3A_921 = arith.constant 6.400000e+01 : f32
    %mul3A_922 = vector.broadcast %mul3A_921 : f32 to vector<200x512xf32>
    %mul3A_923 = arith.mulf %get3A_917, %mul3A_922 : vector<200x512xf32>
    %exp3A_924 = math.exp %mul3A_923 : vector<200x512xf32>
    %mul3A_925 = arith.constant 6.400000e+01 : f32
    %mul3A_926 = vector.broadcast %mul3A_925 : f32 to vector<200x512xf32>
    %mul3A_927 = arith.mulf %get3A_920, %mul3A_926 : vector<200x512xf32>
    %exp3A_928 = math.exp %mul3A_927 : vector<200x512xf32>
    %slice3A_929 = vector.extract_strided_slice %exp3A_924 {offsets = [0, 0], sizes = [8, 512], strides = [1, 1]} : vector<200x512xf32> to vector<8x512xf32>
    %add3A_930 = arith.addf %add3A_912, %slice3A_929 : vector<8x512xf32>
    %slice3A_931 = vector.extract_strided_slice %exp3A_928 {offsets = [0, 0], sizes = [8, 512], strides = [1, 1]} : vector<200x512xf32> to vector<8x512xf32>
    %add3A_932 = arith.addf %add3A_914, %slice3A_931 : vector<8x512xf32>
    %slice3A_933 = vector.extract_strided_slice %exp3A_924 {offsets = [8, 0], sizes = [8, 512], strides = [1, 1]} : vector<200x512xf32> to vector<8x512xf32>
    %add3A_934 = arith.addf %add3A_930, %slice3A_933 : vector<8x512xf32>
    %slice3A_935 = vector.extract_strided_slice %exp3A_928 {offsets = [8, 0], sizes = [8, 512], strides = [1, 1]} : vector<200x512xf32> to vector<8x512xf32>
    %add3A_936 = arith.addf %add3A_932, %slice3A_935 : vector<8x512xf32>
    %slice3A_937 = vector.extract_strided_slice %exp3A_924 {offsets = [16, 0], sizes = [8, 512], strides = [1, 1]} : vector<200x512xf32> to vector<8x512xf32>
    %add3A_938 = arith.addf %add3A_934, %slice3A_937 : vector<8x512xf32>
    %slice3A_939 = vector.extract_strided_slice %exp3A_928 {offsets = [16, 0], sizes = [8, 512], strides = [1, 1]} : vector<200x512xf32> to vector<8x512xf32>
    %add3A_940 = arith.addf %add3A_936, %slice3A_939 : vector<8x512xf32>
    %slice3A_941 = vector.extract_strided_slice %exp3A_924 {offsets = [24, 0], sizes = [8, 512], strides = [1, 1]} : vector<200x512xf32> to vector<8x512xf32>
    %add3A_942 = arith.addf %add3A_938, %slice3A_941 : vector<8x512xf32>
    %slice3A_943 = vector.extract_strided_slice %exp3A_928 {offsets = [24, 0], sizes = [8, 512], strides = [1, 1]} : vector<200x512xf32> to vector<8x512xf32>
    %add3A_944 = arith.addf %add3A_940, %slice3A_943 : vector<8x512xf32>
    %slice3A_945 = vector.extract_strided_slice %exp3A_924 {offsets = [32, 0], sizes = [8, 512], strides = [1, 1]} : vector<200x512xf32> to vector<8x512xf32>
    %add3A_946 = arith.addf %add3A_942, %slice3A_945 : vector<8x512xf32>
    %slice3A_947 = vector.extract_strided_slice %exp3A_928 {offsets = [32, 0], sizes = [8, 512], strides = [1, 1]} : vector<200x512xf32> to vector<8x512xf32>
    %add3A_948 = arith.addf %add3A_944, %slice3A_947 : vector<8x512xf32>
    %slice3A_949 = vector.extract_strided_slice %exp3A_924 {offsets = [40, 0], sizes = [8, 512], strides = [1, 1]} : vector<200x512xf32> to vector<8x512xf32>
    %add3A_950 = arith.addf %add3A_946, %slice3A_949 : vector<8x512xf32>
    %slice3A_951 = vector.extract_strided_slice %exp3A_928 {offsets = [40, 0], sizes = [8, 512], strides = [1, 1]} : vector<200x512xf32> to vector<8x512xf32>
    %add3A_952 = arith.addf %add3A_948, %slice3A_951 : vector<8x512xf32>
    %slice3A_953 = vector.extract_strided_slice %exp3A_924 {offsets = [48, 0], sizes = [8, 512], strides = [1, 1]} : vector<200x512xf32> to vector<8x512xf32>
    %add3A_954 = arith.addf %add3A_950, %slice3A_953 : vector<8x512xf32>
    %slice3A_955 = vector.extract_strided_slice %exp3A_928 {offsets = [48, 0], sizes = [8, 512], strides = [1, 1]} : vector<200x512xf32> to vector<8x512xf32>
    %add3A_956 = arith.addf %add3A_952, %slice3A_955 : vector<8x512xf32>
    %slice3A_957 = vector.extract_strided_slice %exp3A_924 {offsets = [56, 0], sizes = [8, 512], strides = [1, 1]} : vector<200x512xf32> to vector<8x512xf32>
    %add3A_958 = arith.addf %add3A_954, %slice3A_957 : vector<8x512xf32>
    %slice3A_959 = vector.extract_strided_slice %exp3A_928 {offsets = [56, 0], sizes = [8, 512], strides = [1, 1]} : vector<200x512xf32> to vector<8x512xf32>
    %add3A_960 = arith.addf %add3A_956, %slice3A_959 : vector<8x512xf32>
    %slice3A_961 = vector.extract_strided_slice %exp3A_924 {offsets = [64, 0], sizes = [8, 512], strides = [1, 1]} : vector<200x512xf32> to vector<8x512xf32>
    %add3A_962 = arith.addf %add3A_958, %slice3A_961 : vector<8x512xf32>
    %slice3A_963 = vector.extract_strided_slice %exp3A_928 {offsets = [64, 0], sizes = [8, 512], strides = [1, 1]} : vector<200x512xf32> to vector<8x512xf32>
    %add3A_964 = arith.addf %add3A_960, %slice3A_963 : vector<8x512xf32>
    %slice3A_965 = vector.extract_strided_slice %exp3A_924 {offsets = [72, 0], sizes = [8, 512], strides = [1, 1]} : vector<200x512xf32> to vector<8x512xf32>
    %add3A_966 = arith.addf %add3A_962, %slice3A_965 : vector<8x512xf32>
    %slice3A_967 = vector.extract_strided_slice %exp3A_928 {offsets = [72, 0], sizes = [8, 512], strides = [1, 1]} : vector<200x512xf32> to vector<8x512xf32>
    %add3A_968 = arith.addf %add3A_964, %slice3A_967 : vector<8x512xf32>
    %slice3A_969 = vector.extract_strided_slice %exp3A_924 {offsets = [80, 0], sizes = [8, 512], strides = [1, 1]} : vector<200x512xf32> to vector<8x512xf32>
    %add3A_970 = arith.addf %add3A_966, %slice3A_969 : vector<8x512xf32>
    %slice3A_971 = vector.extract_strided_slice %exp3A_928 {offsets = [80, 0], sizes = [8, 512], strides = [1, 1]} : vector<200x512xf32> to vector<8x512xf32>
    %add3A_972 = arith.addf %add3A_968, %slice3A_971 : vector<8x512xf32>
    %slice3A_973 = vector.extract_strided_slice %exp3A_924 {offsets = [88, 0], sizes = [8, 512], strides = [1, 1]} : vector<200x512xf32> to vector<8x512xf32>
    %add3A_974 = arith.addf %add3A_970, %slice3A_973 : vector<8x512xf32>
    %slice3A_975 = vector.extract_strided_slice %exp3A_928 {offsets = [88, 0], sizes = [8, 512], strides = [1, 1]} : vector<200x512xf32> to vector<8x512xf32>
    %add3A_976 = arith.addf %add3A_972, %slice3A_975 : vector<8x512xf32>
    %slice3A_977 = vector.extract_strided_slice %exp3A_924 {offsets = [96, 0], sizes = [8, 512], strides = [1, 1]} : vector<200x512xf32> to vector<8x512xf32>
    %add3A_978 = arith.addf %add3A_974, %slice3A_977 : vector<8x512xf32>
    %slice3A_979 = vector.extract_strided_slice %exp3A_928 {offsets = [96, 0], sizes = [8, 512], strides = [1, 1]} : vector<200x512xf32> to vector<8x512xf32>
    %add3A_980 = arith.addf %add3A_976, %slice3A_979 : vector<8x512xf32>
    %slice3A_981 = vector.extract_strided_slice %exp3A_924 {offsets = [104, 0], sizes = [8, 512], strides = [1, 1]} : vector<200x512xf32> to vector<8x512xf32>
    %add3A_982 = arith.addf %add3A_978, %slice3A_981 : vector<8x512xf32>
    %slice3A_983 = vector.extract_strided_slice %exp3A_928 {offsets = [104, 0], sizes = [8, 512], strides = [1, 1]} : vector<200x512xf32> to vector<8x512xf32>
    %add3A_984 = arith.addf %add3A_980, %slice3A_983 : vector<8x512xf32>
    %slice3A_985 = vector.extract_strided_slice %exp3A_924 {offsets = [112, 0], sizes = [8, 512], strides = [1, 1]} : vector<200x512xf32> to vector<8x512xf32>
    %add3A_986 = arith.addf %add3A_982, %slice3A_985 : vector<8x512xf32>
    %slice3A_987 = vector.extract_strided_slice %exp3A_928 {offsets = [112, 0], sizes = [8, 512], strides = [1, 1]} : vector<200x512xf32> to vector<8x512xf32>
    %add3A_988 = arith.addf %add3A_984, %slice3A_987 : vector<8x512xf32>
    %slice3A_989 = vector.extract_strided_slice %exp3A_924 {offsets = [120, 0], sizes = [8, 512], strides = [1, 1]} : vector<200x512xf32> to vector<8x512xf32>
    %add3A_990 = arith.addf %add3A_986, %slice3A_989 : vector<8x512xf32>
    %slice3A_991 = vector.extract_strided_slice %exp3A_928 {offsets = [120, 0], sizes = [8, 512], strides = [1, 1]} : vector<200x512xf32> to vector<8x512xf32>
    %add3A_992 = arith.addf %add3A_988, %slice3A_991 : vector<8x512xf32>
    %slice3A_993 = vector.extract_strided_slice %exp3A_924 {offsets = [128, 0], sizes = [8, 512], strides = [1, 1]} : vector<200x512xf32> to vector<8x512xf32>
    %add3A_994 = arith.addf %add3A_990, %slice3A_993 : vector<8x512xf32>
    %slice3A_995 = vector.extract_strided_slice %exp3A_928 {offsets = [128, 0], sizes = [8, 512], strides = [1, 1]} : vector<200x512xf32> to vector<8x512xf32>
    %add3A_996 = arith.addf %add3A_992, %slice3A_995 : vector<8x512xf32>
    %slice3A_997 = vector.extract_strided_slice %exp3A_924 {offsets = [136, 0], sizes = [8, 512], strides = [1, 1]} : vector<200x512xf32> to vector<8x512xf32>
    %add3A_998 = arith.addf %add3A_994, %slice3A_997 : vector<8x512xf32>
    %slice3A_999 = vector.extract_strided_slice %exp3A_928 {offsets = [136, 0], sizes = [8, 512], strides = [1, 1]} : vector<200x512xf32> to vector<8x512xf32>
    %add3A_1000 = arith.addf %add3A_996, %slice3A_999 : vector<8x512xf32>
    %slice3A_1001 = vector.extract_strided_slice %exp3A_924 {offsets = [144, 0], sizes = [8, 512], strides = [1, 1]} : vector<200x512xf32> to vector<8x512xf32>
    %add3A_1002 = arith.addf %add3A_998, %slice3A_1001 : vector<8x512xf32>
    %slice3A_1003 = vector.extract_strided_slice %exp3A_928 {offsets = [144, 0], sizes = [8, 512], strides = [1, 1]} : vector<200x512xf32> to vector<8x512xf32>
    %add3A_1004 = arith.addf %add3A_1000, %slice3A_1003 : vector<8x512xf32>
    %slice3A_1005 = vector.extract_strided_slice %exp3A_924 {offsets = [152, 0], sizes = [8, 512], strides = [1, 1]} : vector<200x512xf32> to vector<8x512xf32>
    %add3A_1006 = arith.addf %add3A_1002, %slice3A_1005 : vector<8x512xf32>
    %slice3A_1007 = vector.extract_strided_slice %exp3A_928 {offsets = [152, 0], sizes = [8, 512], strides = [1, 1]} : vector<200x512xf32> to vector<8x512xf32>
    %add3A_1008 = arith.addf %add3A_1004, %slice3A_1007 : vector<8x512xf32>
    %slice3A_1009 = vector.extract_strided_slice %exp3A_924 {offsets = [160, 0], sizes = [8, 512], strides = [1, 1]} : vector<200x512xf32> to vector<8x512xf32>
    %add3A_1010 = arith.addf %add3A_1006, %slice3A_1009 : vector<8x512xf32>
    %slice3A_1011 = vector.extract_strided_slice %exp3A_928 {offsets = [160, 0], sizes = [8, 512], strides = [1, 1]} : vector<200x512xf32> to vector<8x512xf32>
    %add3A_1012 = arith.addf %add3A_1008, %slice3A_1011 : vector<8x512xf32>
    %slice3A_1013 = vector.extract_strided_slice %exp3A_924 {offsets = [168, 0], sizes = [8, 512], strides = [1, 1]} : vector<200x512xf32> to vector<8x512xf32>
    %add3A_1014 = arith.addf %add3A_1010, %slice3A_1013 : vector<8x512xf32>
    %slice3A_1015 = vector.extract_strided_slice %exp3A_928 {offsets = [168, 0], sizes = [8, 512], strides = [1, 1]} : vector<200x512xf32> to vector<8x512xf32>
    %add3A_1016 = arith.addf %add3A_1012, %slice3A_1015 : vector<8x512xf32>
    %slice3A_1017 = vector.extract_strided_slice %exp3A_924 {offsets = [176, 0], sizes = [8, 512], strides = [1, 1]} : vector<200x512xf32> to vector<8x512xf32>
    %add3A_1018 = arith.addf %add3A_1014, %slice3A_1017 : vector<8x512xf32>
    %slice3A_1019 = vector.extract_strided_slice %exp3A_928 {offsets = [176, 0], sizes = [8, 512], strides = [1, 1]} : vector<200x512xf32> to vector<8x512xf32>
    %add3A_1020 = arith.addf %add3A_1016, %slice3A_1019 : vector<8x512xf32>
    %slice3A_1021 = vector.extract_strided_slice %exp3A_924 {offsets = [184, 0], sizes = [8, 512], strides = [1, 1]} : vector<200x512xf32> to vector<8x512xf32>
    %add3A_1022 = arith.addf %add3A_1018, %slice3A_1021 : vector<8x512xf32>
    %slice3A_1023 = vector.extract_strided_slice %exp3A_928 {offsets = [184, 0], sizes = [8, 512], strides = [1, 1]} : vector<200x512xf32> to vector<8x512xf32>
    %add3A_1024 = arith.addf %add3A_1020, %slice3A_1023 : vector<8x512xf32>
    %slice3A_1025 = vector.extract_strided_slice %exp3A_924 {offsets = [192, 0], sizes = [8, 512], strides = [1, 1]} : vector<200x512xf32> to vector<8x512xf32>
    %add3A_1026 = arith.addf %add3A_1022, %slice3A_1025 : vector<8x512xf32>
    %slice3A_1027 = vector.extract_strided_slice %exp3A_928 {offsets = [192, 0], sizes = [8, 512], strides = [1, 1]} : vector<200x512xf32> to vector<8x512xf32>
    %add3A_1028 = arith.addf %add3A_1024, %slice3A_1027 : vector<8x512xf32>
    %get3A_1029 = arith.constant 1800 : index
    %get3A_1030 = arith.constant 0 : index
    %get3A_1031 = vector.load %arg2[%get3A_1029, %get3A_1030] : memref<2000x512xf32, #tpu.memory_space<vmem>>, vector<200x512xf32>
    %get3A_1032 = arith.constant 1800 : index
    %get3A_1033 = arith.constant 0 : index
    %get3A_1034 = vector.load %arg3[%get3A_1032, %get3A_1033] : memref<2000x512xf32, #tpu.memory_space<vmem>>, vector<200x512xf32>
    %mul3A_1035 = arith.constant 6.400000e+01 : f32
    %mul3A_1036 = vector.broadcast %mul3A_1035 : f32 to vector<200x512xf32>
    %mul3A_1037 = arith.mulf %get3A_1031, %mul3A_1036 : vector<200x512xf32>
    %exp3A_1038 = math.exp %mul3A_1037 : vector<200x512xf32>
    %mul3A_1039 = arith.constant 6.400000e+01 : f32
    %mul3A_1040 = vector.broadcast %mul3A_1039 : f32 to vector<200x512xf32>
    %mul3A_1041 = arith.mulf %get3A_1034, %mul3A_1040 : vector<200x512xf32>
    %exp3A_1042 = math.exp %mul3A_1041 : vector<200x512xf32>
    %slice3A_1043 = vector.extract_strided_slice %exp3A_1038 {offsets = [0, 0], sizes = [8, 512], strides = [1, 1]} : vector<200x512xf32> to vector<8x512xf32>
    %add3A_1044 = arith.addf %add3A_1026, %slice3A_1043 : vector<8x512xf32>
    %slice3A_1045 = vector.extract_strided_slice %exp3A_1042 {offsets = [0, 0], sizes = [8, 512], strides = [1, 1]} : vector<200x512xf32> to vector<8x512xf32>
    %add3A_1046 = arith.addf %add3A_1028, %slice3A_1045 : vector<8x512xf32>
    %slice3A_1047 = vector.extract_strided_slice %exp3A_1038 {offsets = [8, 0], sizes = [8, 512], strides = [1, 1]} : vector<200x512xf32> to vector<8x512xf32>
    %add3A_1048 = arith.addf %add3A_1044, %slice3A_1047 : vector<8x512xf32>
    %slice3A_1049 = vector.extract_strided_slice %exp3A_1042 {offsets = [8, 0], sizes = [8, 512], strides = [1, 1]} : vector<200x512xf32> to vector<8x512xf32>
    %add3A_1050 = arith.addf %add3A_1046, %slice3A_1049 : vector<8x512xf32>
    %slice3A_1051 = vector.extract_strided_slice %exp3A_1038 {offsets = [16, 0], sizes = [8, 512], strides = [1, 1]} : vector<200x512xf32> to vector<8x512xf32>
    %add3A_1052 = arith.addf %add3A_1048, %slice3A_1051 : vector<8x512xf32>
    %slice3A_1053 = vector.extract_strided_slice %exp3A_1042 {offsets = [16, 0], sizes = [8, 512], strides = [1, 1]} : vector<200x512xf32> to vector<8x512xf32>
    %add3A_1054 = arith.addf %add3A_1050, %slice3A_1053 : vector<8x512xf32>
    %slice3A_1055 = vector.extract_strided_slice %exp3A_1038 {offsets = [24, 0], sizes = [8, 512], strides = [1, 1]} : vector<200x512xf32> to vector<8x512xf32>
    %add3A_1056 = arith.addf %add3A_1052, %slice3A_1055 : vector<8x512xf32>
    %slice3A_1057 = vector.extract_strided_slice %exp3A_1042 {offsets = [24, 0], sizes = [8, 512], strides = [1, 1]} : vector<200x512xf32> to vector<8x512xf32>
    %add3A_1058 = arith.addf %add3A_1054, %slice3A_1057 : vector<8x512xf32>
    %slice3A_1059 = vector.extract_strided_slice %exp3A_1038 {offsets = [32, 0], sizes = [8, 512], strides = [1, 1]} : vector<200x512xf32> to vector<8x512xf32>
    %add3A_1060 = arith.addf %add3A_1056, %slice3A_1059 : vector<8x512xf32>
    %slice3A_1061 = vector.extract_strided_slice %exp3A_1042 {offsets = [32, 0], sizes = [8, 512], strides = [1, 1]} : vector<200x512xf32> to vector<8x512xf32>
    %add3A_1062 = arith.addf %add3A_1058, %slice3A_1061 : vector<8x512xf32>
    %slice3A_1063 = vector.extract_strided_slice %exp3A_1038 {offsets = [40, 0], sizes = [8, 512], strides = [1, 1]} : vector<200x512xf32> to vector<8x512xf32>
    %add3A_1064 = arith.addf %add3A_1060, %slice3A_1063 : vector<8x512xf32>
    %slice3A_1065 = vector.extract_strided_slice %exp3A_1042 {offsets = [40, 0], sizes = [8, 512], strides = [1, 1]} : vector<200x512xf32> to vector<8x512xf32>
    %add3A_1066 = arith.addf %add3A_1062, %slice3A_1065 : vector<8x512xf32>
    %slice3A_1067 = vector.extract_strided_slice %exp3A_1038 {offsets = [48, 0], sizes = [8, 512], strides = [1, 1]} : vector<200x512xf32> to vector<8x512xf32>
    %add3A_1068 = arith.addf %add3A_1064, %slice3A_1067 : vector<8x512xf32>
    %slice3A_1069 = vector.extract_strided_slice %exp3A_1042 {offsets = [48, 0], sizes = [8, 512], strides = [1, 1]} : vector<200x512xf32> to vector<8x512xf32>
    %add3A_1070 = arith.addf %add3A_1066, %slice3A_1069 : vector<8x512xf32>
    %slice3A_1071 = vector.extract_strided_slice %exp3A_1038 {offsets = [56, 0], sizes = [8, 512], strides = [1, 1]} : vector<200x512xf32> to vector<8x512xf32>
    %add3A_1072 = arith.addf %add3A_1068, %slice3A_1071 : vector<8x512xf32>
    %slice3A_1073 = vector.extract_strided_slice %exp3A_1042 {offsets = [56, 0], sizes = [8, 512], strides = [1, 1]} : vector<200x512xf32> to vector<8x512xf32>
    %add3A_1074 = arith.addf %add3A_1070, %slice3A_1073 : vector<8x512xf32>
    %slice3A_1075 = vector.extract_strided_slice %exp3A_1038 {offsets = [64, 0], sizes = [8, 512], strides = [1, 1]} : vector<200x512xf32> to vector<8x512xf32>
    %add3A_1076 = arith.addf %add3A_1072, %slice3A_1075 : vector<8x512xf32>
    %slice3A_1077 = vector.extract_strided_slice %exp3A_1042 {offsets = [64, 0], sizes = [8, 512], strides = [1, 1]} : vector<200x512xf32> to vector<8x512xf32>
    %add3A_1078 = arith.addf %add3A_1074, %slice3A_1077 : vector<8x512xf32>
    %slice3A_1079 = vector.extract_strided_slice %exp3A_1038 {offsets = [72, 0], sizes = [8, 512], strides = [1, 1]} : vector<200x512xf32> to vector<8x512xf32>
    %add3A_1080 = arith.addf %add3A_1076, %slice3A_1079 : vector<8x512xf32>
    %slice3A_1081 = vector.extract_strided_slice %exp3A_1042 {offsets = [72, 0], sizes = [8, 512], strides = [1, 1]} : vector<200x512xf32> to vector<8x512xf32>
    %add3A_1082 = arith.addf %add3A_1078, %slice3A_1081 : vector<8x512xf32>
    %slice3A_1083 = vector.extract_strided_slice %exp3A_1038 {offsets = [80, 0], sizes = [8, 512], strides = [1, 1]} : vector<200x512xf32> to vector<8x512xf32>
    %add3A_1084 = arith.addf %add3A_1080, %slice3A_1083 : vector<8x512xf32>
    %slice3A_1085 = vector.extract_strided_slice %exp3A_1042 {offsets = [80, 0], sizes = [8, 512], strides = [1, 1]} : vector<200x512xf32> to vector<8x512xf32>
    %add3A_1086 = arith.addf %add3A_1082, %slice3A_1085 : vector<8x512xf32>
    %slice3A_1087 = vector.extract_strided_slice %exp3A_1038 {offsets = [88, 0], sizes = [8, 512], strides = [1, 1]} : vector<200x512xf32> to vector<8x512xf32>
    %add3A_1088 = arith.addf %add3A_1084, %slice3A_1087 : vector<8x512xf32>
    %slice3A_1089 = vector.extract_strided_slice %exp3A_1042 {offsets = [88, 0], sizes = [8, 512], strides = [1, 1]} : vector<200x512xf32> to vector<8x512xf32>
    %add3A_1090 = arith.addf %add3A_1086, %slice3A_1089 : vector<8x512xf32>
    %slice3A_1091 = vector.extract_strided_slice %exp3A_1038 {offsets = [96, 0], sizes = [8, 512], strides = [1, 1]} : vector<200x512xf32> to vector<8x512xf32>
    %add3A_1092 = arith.addf %add3A_1088, %slice3A_1091 : vector<8x512xf32>
    %slice3A_1093 = vector.extract_strided_slice %exp3A_1042 {offsets = [96, 0], sizes = [8, 512], strides = [1, 1]} : vector<200x512xf32> to vector<8x512xf32>
    %add3A_1094 = arith.addf %add3A_1090, %slice3A_1093 : vector<8x512xf32>
    %slice3A_1095 = vector.extract_strided_slice %exp3A_1038 {offsets = [104, 0], sizes = [8, 512], strides = [1, 1]} : vector<200x512xf32> to vector<8x512xf32>
    %add3A_1096 = arith.addf %add3A_1092, %slice3A_1095 : vector<8x512xf32>
    %slice3A_1097 = vector.extract_strided_slice %exp3A_1042 {offsets = [104, 0], sizes = [8, 512], strides = [1, 1]} : vector<200x512xf32> to vector<8x512xf32>
    %add3A_1098 = arith.addf %add3A_1094, %slice3A_1097 : vector<8x512xf32>
    %slice3A_1099 = vector.extract_strided_slice %exp3A_1038 {offsets = [112, 0], sizes = [8, 512], strides = [1, 1]} : vector<200x512xf32> to vector<8x512xf32>
    %add3A_1100 = arith.addf %add3A_1096, %slice3A_1099 : vector<8x512xf32>
    %slice3A_1101 = vector.extract_strided_slice %exp3A_1042 {offsets = [112, 0], sizes = [8, 512], strides = [1, 1]} : vector<200x512xf32> to vector<8x512xf32>
    %add3A_1102 = arith.addf %add3A_1098, %slice3A_1101 : vector<8x512xf32>
    %slice3A_1103 = vector.extract_strided_slice %exp3A_1038 {offsets = [120, 0], sizes = [8, 512], strides = [1, 1]} : vector<200x512xf32> to vector<8x512xf32>
    %add3A_1104 = arith.addf %add3A_1100, %slice3A_1103 : vector<8x512xf32>
    %slice3A_1105 = vector.extract_strided_slice %exp3A_1042 {offsets = [120, 0], sizes = [8, 512], strides = [1, 1]} : vector<200x512xf32> to vector<8x512xf32>
    %add3A_1106 = arith.addf %add3A_1102, %slice3A_1105 : vector<8x512xf32>
    %slice3A_1107 = vector.extract_strided_slice %exp3A_1038 {offsets = [128, 0], sizes = [8, 512], strides = [1, 1]} : vector<200x512xf32> to vector<8x512xf32>
    %add3A_1108 = arith.addf %add3A_1104, %slice3A_1107 : vector<8x512xf32>
    %slice3A_1109 = vector.extract_strided_slice %exp3A_1042 {offsets = [128, 0], sizes = [8, 512], strides = [1, 1]} : vector<200x512xf32> to vector<8x512xf32>
    %add3A_1110 = arith.addf %add3A_1106, %slice3A_1109 : vector<8x512xf32>
    %slice3A_1111 = vector.extract_strided_slice %exp3A_1038 {offsets = [136, 0], sizes = [8, 512], strides = [1, 1]} : vector<200x512xf32> to vector<8x512xf32>
    %add3A_1112 = arith.addf %add3A_1108, %slice3A_1111 : vector<8x512xf32>
    %slice3A_1113 = vector.extract_strided_slice %exp3A_1042 {offsets = [136, 0], sizes = [8, 512], strides = [1, 1]} : vector<200x512xf32> to vector<8x512xf32>
    %add3A_1114 = arith.addf %add3A_1110, %slice3A_1113 : vector<8x512xf32>
    %slice3A_1115 = vector.extract_strided_slice %exp3A_1038 {offsets = [144, 0], sizes = [8, 512], strides = [1, 1]} : vector<200x512xf32> to vector<8x512xf32>
    %add3A_1116 = arith.addf %add3A_1112, %slice3A_1115 : vector<8x512xf32>
    %slice3A_1117 = vector.extract_strided_slice %exp3A_1042 {offsets = [144, 0], sizes = [8, 512], strides = [1, 1]} : vector<200x512xf32> to vector<8x512xf32>
    %add3A_1118 = arith.addf %add3A_1114, %slice3A_1117 : vector<8x512xf32>
    %slice3A_1119 = vector.extract_strided_slice %exp3A_1038 {offsets = [152, 0], sizes = [8, 512], strides = [1, 1]} : vector<200x512xf32> to vector<8x512xf32>
    %add3A_1120 = arith.addf %add3A_1116, %slice3A_1119 : vector<8x512xf32>
    %slice3A_1121 = vector.extract_strided_slice %exp3A_1042 {offsets = [152, 0], sizes = [8, 512], strides = [1, 1]} : vector<200x512xf32> to vector<8x512xf32>
    %add3A_1122 = arith.addf %add3A_1118, %slice3A_1121 : vector<8x512xf32>
    %slice3A_1123 = vector.extract_strided_slice %exp3A_1038 {offsets = [160, 0], sizes = [8, 512], strides = [1, 1]} : vector<200x512xf32> to vector<8x512xf32>
    %add3A_1124 = arith.addf %add3A_1120, %slice3A_1123 : vector<8x512xf32>
    %slice3A_1125 = vector.extract_strided_slice %exp3A_1042 {offsets = [160, 0], sizes = [8, 512], strides = [1, 1]} : vector<200x512xf32> to vector<8x512xf32>
    %add3A_1126 = arith.addf %add3A_1122, %slice3A_1125 : vector<8x512xf32>
    %slice3A_1127 = vector.extract_strided_slice %exp3A_1038 {offsets = [168, 0], sizes = [8, 512], strides = [1, 1]} : vector<200x512xf32> to vector<8x512xf32>
    %add3A_1128 = arith.addf %add3A_1124, %slice3A_1127 : vector<8x512xf32>
    %slice3A_1129 = vector.extract_strided_slice %exp3A_1042 {offsets = [168, 0], sizes = [8, 512], strides = [1, 1]} : vector<200x512xf32> to vector<8x512xf32>
    %add3A_1130 = arith.addf %add3A_1126, %slice3A_1129 : vector<8x512xf32>
    %slice3A_1131 = vector.extract_strided_slice %exp3A_1038 {offsets = [176, 0], sizes = [8, 512], strides = [1, 1]} : vector<200x512xf32> to vector<8x512xf32>
    %add3A_1132 = arith.addf %add3A_1128, %slice3A_1131 : vector<8x512xf32>
    %slice3A_1133 = vector.extract_strided_slice %exp3A_1042 {offsets = [176, 0], sizes = [8, 512], strides = [1, 1]} : vector<200x512xf32> to vector<8x512xf32>
    %add3A_1134 = arith.addf %add3A_1130, %slice3A_1133 : vector<8x512xf32>
    %slice3A_1135 = vector.extract_strided_slice %exp3A_1038 {offsets = [184, 0], sizes = [8, 512], strides = [1, 1]} : vector<200x512xf32> to vector<8x512xf32>
    %add3A_1136 = arith.addf %add3A_1132, %slice3A_1135 : vector<8x512xf32>
    %slice3A_1137 = vector.extract_strided_slice %exp3A_1042 {offsets = [184, 0], sizes = [8, 512], strides = [1, 1]} : vector<200x512xf32> to vector<8x512xf32>
    %add3A_1138 = arith.addf %add3A_1134, %slice3A_1137 : vector<8x512xf32>
    %slice3A_1139 = vector.extract_strided_slice %exp3A_1038 {offsets = [192, 0], sizes = [8, 512], strides = [1, 1]} : vector<200x512xf32> to vector<8x512xf32>
    %add3A_1140 = arith.addf %add3A_1136, %slice3A_1139 : vector<8x512xf32>
    %slice3A_1141 = vector.extract_strided_slice %exp3A_1042 {offsets = [192, 0], sizes = [8, 512], strides = [1, 1]} : vector<200x512xf32> to vector<8x512xf32>
    %add3A_1142 = arith.addf %add3A_1138, %slice3A_1141 : vector<8x512xf32>
    %swap3A = arith.constant 0 : index
    %swap3A_1143 = arith.constant 0 : index
    %swap3A_1144 = vector.load %arg4[%swap3A, %swap3A_1143] : memref<8x1024xf32, #tpu.memory_space<vmem>>, vector<8x512xf32>
    tpu.vector_store %arg4[%swap3A, %swap3A_1143], %add3A_1140 {strides = array<i32>} : memref<8x1024xf32, #tpu.memory_space<vmem>>, vector<8x512xf32>,
    %swap3A_1145 = arith.constant 0 : index
    %swap3A_1146 = arith.constant 512 : index
    %swap3A_1147 = vector.load %arg4[%swap3A_1145, %swap3A_1146] : memref<8x1024xf32, #tpu.memory_space<vmem>>, vector<8x512xf32>
    tpu.vector_store %arg4[%swap3A_1145, %swap3A_1146], %add3A_1142 {strides = array<i32>} : memref<8x1024xf32, #tpu.memory_space<vmem>>, vector<8x512xf32>,
    return
  }
  func.func @transform_0(%arg0: i32, %arg1: i32) -> (i32, i32) {
    %mul3A = arith.constant 25 : i32
    %mul3A_0 = arith.muli %arg0, %mul3A : i32
    %add3A = arith.addi %mul3A_0, %arg1 : i32
    %c0_i32 = arith.constant 0 : i32
    %c0_i32_1 = arith.constant 0 : i32
    return %add3A, %c0_i32 : i32, i32
  }
  func.func @transform_1(%arg0: i32, %arg1: i32) -> (i32, i32) {
    %mul3A = arith.constant 25 : i32
    %mul3A_0 = arith.muli %arg0, %mul3A : i32
    %add3A = arith.addi %mul3A_0, %arg1 : i32
    %c1_i32 = arith.constant 1 : i32
    %c0_i32 = arith.constant 0 : i32
    return %add3A, %c1_i32 : i32, i32
  }
  func.func @transform_2(%arg0: i32, %arg1: i32) -> (i32, i32) {
    %c0_i32 = arith.constant 0 : i32
    %c0_i32_0 = arith.constant 0 : i32
    return %arg0, %c0_i32 : i32, i32
  }
}

</mosaic_0001>

<sc_bundles>
// kernel: kernel.5.cloned.1.call-start
scs
__scs_entry_jumppad:
0x0: {  	(pc) =	sbr.rel $0x88, $3  }
0x1: {  	(tag) =	ssettag $0x0;
	lr =	simm.s32 $0x1  }
0x2: {  	[smem:$0x3F9F] =	sst lr;
	_ =	strace $0xD0000000  }
0x3: {  	_ = 	snop  }
0x4: {  	_ = 	snop  }
0x5: {  	_ = 	snop  }
0x6: {  	_ = 	snop  }
0x7: {  	_ = 	snop  }
__scs_overlays_trampoline_lowered:
0x8: {  	[smem:$0x3FAE] =	sst s0  }
0x9: {  	[smem:$0x3FAF] =	sst s1  }
0xa: {  	[smem:$0x3FB0] =	sst s2  }
0xb: {  	[smem:$0x3FB1] =	sst s3  }
0xc: {  	[smem:$0x3FB2] =	sst s4  }
0xd: {  	[smem:$0x3FB3] =	sst s5  }
0xe: {  	[smem:$0x3FB4] =	sst s6  }
0xf: {  	[smem:$0x3FB5] =	sst s7  }
0x10: {  	[smem:$0x3FB6] =	sst s8  }
0x11: {  	[smem:$0x3FB7] =	sst s9;
	s0 =	simm.s32 @!p0 $0x0  }
0x12: {  	s1 =	sld [smem:$0x3F9D];
	s0 =	simm.s32 @p0 $0x1  }
0x13: {  	[smem:$0x3FB8] =	sst s0;
	s0 =	simm.s32 @!p1 $0x0  }
0x14: {  	s2 =	sld [smem:$0x3F9C];
	s0 =	simm.s32 @p1 $0x1  }
0x15: {  	[smem:$0x3FB9] =	sst s0;
	s0 =	simm.s32 @!p2 $0x0  }
0x16: {  	s3 =	sld [smem:$0x3FDB];
	s0 =	simm.s32 @p2 $0x1  }
0x17: {  	s4 =	simm.s32 $0x1BF5;
	[smem:$0x3FBB] =	sst s0  }
0x18: {  	s0 =	sld [smem:$0x3F9E];
	_ =	swait.ge [sflag:s4], $0x0  }
0x19: {  	s7 =	sld [smem:$0x3F9F]  }
0x1a: {  	s8 =	sadd.s32 $0xFFFFE003, lr  }
0x1b: {  	s9 =	sadd.s32 $0xFFFFFEF7, lr;
	s5 =	simm.s32 $0xFFFFFFFF;
	p2 =	slt.u32 s8, $0xFFFFF086  }
0x1c: {  	p1 =	slt.u32 s9, $0xF7A;
	s5 =	simm.s32 @!p2 $0x0  }
0x1d: {  	s5 =	simm.s32 @p1 $0x1;
	p0 =	seq.s32 s7, s2  }
0x1e: {  	s7 =	smul.u32 @!p0 $0xF7A, s2;
	p2 =	seq.s32 @!p0 s5, $0x0  }
0x1f: {  	s9 =	smul.u32 $0xF7A, s1;
	s8 =	simm.s32 @!p0 $0x1BF5;
	p2 =	por !p2, p0  }
0x20: {  	[sflag:s8] =	ssyncset.s32 @!p0 $0xFFFFF086;
	s6 =	sadd.s32 @!p0 s3, s7;
	s7 =	simm.s32 @!p0 $0x108  }
0x21: {  	s3 =	sadd.s32 s3, s9;
	s6 =	sadd.s32 @!p0 $0x88, s6;
	s7 =	simm.s32 @p2 $0x1082  }
0x22: {  	[simem:s7], [sflag:s8] =	dma.local @!p0 [hbm:s6], $0xF7A  }
0x23: {  	s9 =	sor.u32 $0xD0000000, s2;
	s6 =	simm.s32 $0x108;
	_ =	swait.ge @!p0 [sflag:s8], $0x0  }
0x24: {  	s3 =	sadd.s32 $0x88, s3;
	s6 =	simm.s32 @!p1 $0x1082;
	[sflag:s4] =	ssyncset.s32 $0xFFFFF086  }
0x25: {  	[simem:s6], [sflag:s4] =	dma.local [hbm:s3], $0xF7A  }
0x26: {  	[smem:$0x3F9F] =	sst s1;
	(tag) =	ssettag s2;
	_ =	strace s9  }
0x27: {  	s1 =	sld [smem:$0x3FAF]  }
0x28: {  	s2 =	sld [smem:$0x3FB0]  }
0x29: {  	s4 =	sld [smem:$0x3FB2]  }
0x2a: {  	p0 =	seq.s32 s5, $0x0;
	s5 =	sld [smem:$0x3FB3]  }
0x2b: {  	s6 =	sld [smem:$0x3FB4]  }
0x2c: {  	s7 =	sld [smem:$0x3FB5]  }
0x2d: {  	s3 =	simm.s32 $0x108;
	s8 =	sld [smem:$0x3FB6]  }
0x2e: {  	s3 =	simm.s32 @!p0 $0x1082;
	s9 =	sld [smem:$0x3FB7]  }
0x2f: {  	lr =	sadd.s32 s0, s3;
	s0 =	sld [smem:$0x3FAE]  }
0x30: {  	s3 =	sld [smem:$0x3FB1]  }
0x31: {  	[smem:$0x3FBA] =	sst s10  }
0x32: {  	s10 =	sld [smem:$0x3FB8];
	_ =	sdelay $0x3  }
0x33: {  	p0 =	seq.s32 s10, $0x1;
	s10 =	sld [smem:$0x3FBA];
	_ =	sdelay $0x3  }
0x34: {  	[smem:$0x3FBA] =	sst s10  }
0x35: {  	s10 =	sld [smem:$0x3FB9];
	_ =	sdelay $0x3  }
0x36: {  	p1 =	seq.s32 s10, $0x1;
	s10 =	sld [smem:$0x3FBA];
	_ =	sdelay $0x3  }
0x37: {  	[smem:$0x3FBA] =	sst s10  }
0x38: {  	s10 =	sld [smem:$0x3FBB]  }
0x39: {  	_ = 	snop;
	(pc) =	sbr.ind lr, $3  }
0x3a: {  	_ = 	snop  }
0x3b: {  	_ = 	snop  }
0x3c: {  	p2 =	seq.s32 s10, $0x1;
	s10 =	sld [smem:$0x3FBA]  }
0x3d: {  	_ =	shalt  }
0x3e: {  	_ =	shalt  }
0x3f: {  	_ =	shalt  }
0x40: {  	_ =	shalt  }
0x41: {  	_ =	shalt  }
0x42: {  	_ =	shalt  }
0x43: {  	_ =	shalt  }
0x44: {  	_ =	shalt  }
0x45: {  	_ =	shalt  }
0x46: {  	_ =	shalt  }
0x47: {  	_ =	shalt  }
0x48: {  	_ =	shalt  }
0x49: {  	_ =	shalt  }
0x4a: {  	_ =	shalt  }
0x4b: {  	_ =	shalt  }
0x4c: {  	_ =	shalt  }
0x4d: {  	_ =	shalt  }
0x4e: {  	_ =	shalt  }
0x4f: {  	_ =	shalt  }
0x50: {  	_ =	shalt  }
0x51: {  	_ =	shalt  }
0x52: {  	_ =	shalt  }
0x53: {  	_ =	shalt  }
0x54: {  	_ =	shalt  }
0x55: {  	_ =	shalt  }
0x56: {  	_ =	shalt  }
0x57: {  	_ =	shalt  }
0x58: {  	_ =	shalt  }
0x59: {  	_ =	shalt  }
0x5a: {  	_ =	shalt  }
0x5b: {  	_ =	shalt  }
0x5c: {  	_ =	shalt  }
0x5d: {  	_ =	shalt  }
0x5e: {  	_ =	shalt  }
0x5f: {  	_ =	shalt  }
0x60: {  	_ =	shalt  }
0x61: {  	_ =	shalt  }
0x62: {  	_ =	shalt  }
0x63: {  	_ =	shalt  }
0x64: {  	_ =	shalt  }
0x65: {  	_ =	shalt  }
0x66: {  	_ =	shalt  }
0x67: {  	_ =	shalt  }
0x68: {  	_ =	shalt  }
0x69: {  	_ =	shalt  }
0x6a: {  	_ =	shalt  }
0x6b: {  	_ =	shalt  }
0x6c: {  	_ =	shalt  }
0x6d: {  	_ =	shalt  }
0x6e: {  	_ =	shalt  }
0x6f: {  	_ =	shalt  }
0x70: {  	_ =	shalt  }
0x71: {  	_ =	shalt  }
0x72: {  	_ =	shalt  }
0x73: {  	_ =	shalt  }
0x74: {  	_ =	shalt  }
0x75: {  	_ =	shalt  }
0x76: {  	_ =	shalt  }
0x77: {  	_ =	shalt  }
0x78: {  	_ =	shalt  }
0x79: {  	_ =	shalt  }
0x7a: {  	_ =	shalt  }
0x7b: {  	_ =	shalt  }
0x7c: {  	_ =	shalt  }
0x7d: {  	_ =	shalt  }
0x7e: {  	_ =	shalt  }
0x7f: {  	_ =	shalt  }
0x80: {  	_ =	shalt  }
0x81: {  	_ =	shalt  }
0x82: {  	_ =	shalt  }
0x83: {  	_ =	shalt  }
0x84: {  	_ =	shalt  }
0x85: {  	_ =	shalt  }
0x86: {  	_ =	shalt  }
0x87: {  	_ =	shalt  }
.Lfunc_end0:
.L_simem_size_0:
called_computation_lowered:
.L_overlay_start_0:
0x88: {  	s2 =	sld [smem:$0x3FD9]  }
0x89: {  	s3 =	sld [smem:$0x3FFE];
	_ =	sdelay $0x1  }
0x8a: {  	s1 =	srdreg.scid  }
0x8b: {  	s0 =	sand.u32 $0x1, s1  }
0x8c: {  	s17 =	sshll.u32 s0, $0xA;
	s2 =	sadd.s32 s3, s2  }
0x8d: {  	s2 =	sadd.s32 s2, s17  }
0x8e: {  	[smem:$0x3FC6] =	sst s2  }
0x8f: {  	_ = 	snop  }
0x90: {  	s2 =	sld [smem:$0x3FC9]  }
0x91: {  	s18 =	sld [smem:$0x3FC8];
	(tm) =	ssettm $0x1  }
0x92: {  	s4 =	sld [smem:$0x3FFB];
	_ =	sdelay $0x3  }
0x93: {  	_ =	strace s4  }
0x94: {  	s4 =	sld [smem:$0x3FFC];
	_ =	sdelay $0x3  }
0x95: {  	_ =	strace s4  }
0x96: {  	s4 =	sld [smem:$0x3FFD];
	_ =	sdelay $0x3  }
0x97: {  	_ =	strace s4  }
0x98: {  	_ =	strace $0x8FFFFFFF  }
0x99: {  	s19 =	sld [smem:$0x3FDB];
	_ =	sdelay $0x1  }
0x9a: {  	s5 =	simm.s32 $_scs_section_size  }
0x9b: {  	s6 =	simm.s32 $_size__tile_overlayer_lowered;
	s7 =	simm.s32 $_tile_overlayer_lowered  }
0x9c: {  	s22 =	simm.s32 $0x1BFF;
	s21 =	sshll.u32 s7, $0x1;
	s4 =	sadd.s32 s5, s19  }
0x9d: {  	s8 =	simm.s32 $0x0;
	s20 =	sshll.u32 s6, $0x1;
	s6 =	sadd.s32 s21, s4  }
0x9e: {  	[timem:s8], [sflag:s22] =	dma.local [hbm:s6], s20  }
0x9f: {  	_ =	swait.ge [sflag:s22], s20  }
0xa0: {  	s5 =	ssub.s32 $0x0, s20;
	[sflag:s22] =	ssyncset.done $0x0  }
0xa1: {  	[sflag:s22] =	ssyncadd.s32 s5;
	_ =	sdelay $0x1  }
0xa2: {  	s23 =	simm.s32 $0x1B8B  }
0xa3: {  	_ =	swait.ge [sflag:s23], $0x1  }
0xa4: {  	[sflag:s23] =	ssyncset.done $0x0  }
0xa5: {  	s25 =	simm.s32 $0x1B8E;
	s24 =	sld [smem:$0x3FFE];
	[sflag:s23] =	ssyncadd.s32 $0xFFFFFFFF  }
0xa6: {  	s26 =	simm.s32 $execute0_lowered;
	[smem:$0x3FD2] =	sst s25  }
0xa7: {  	s6 =	sshll.u32 s26, $0x1;
	_ =	strace $0x80000046;
	[dreg:$0x1] =	wrdreg $0xFFFFFFFF  }
0xa8: {  	s28 =	simm.s32 $_size_execute0_lowered;
	s4 =	sadd.s32 s4, s6;
	[dreg:$0x0] =	wrdreg $0x0  }
0xa9: {  	s6 =	sshll.u32 s28, $0x1;
	[dreg:$0x2] =	wrdreg s4  }
0xaa: {  	[dreg:$0x3] =	wrdreg s6  }
0xab: {  	[dreg:$0x4] =	wrdreg $0xC0  }
0xac: {  	_ =	task [dreg:s8], $0x5FFFF  }
0xad: {  	[dreg:$0x1] =	wrdreg $0xFFFFFFFF  }
0xae: {  	[dreg:$0x0] =	wrdreg $0x60  }
0xaf: {  	[dreg:$0x2] =	wrdreg s2  }
0xb0: {  	[dreg:$0x3] =	wrdreg s18  }
0xb1: {  	[dreg:$0x4] =	wrdreg s24  }
0xb2: {  	[dreg:$0x5] =	wrdreg $0x9  }
0xb3: {  	_ =	task.clear_ibuf [dreg:s8], $0x6FFFF;
	_ =	strace $0x90000046  }
0xb4: {  	s29 =	simm.s32 $0x9;
	_ =	strace $0x80000048  }
0xb5: {  	_ =	swait.ge [sflag:s29], $0x1  }
0xb6: {  	[sflag:s29] =	ssyncadd.s32 $0xFFFFFFFF  }
0xb7: {  	_ =	strace $0x90000048  }
0xb8: {  	_ =	sfence  }
0xb9: {  	s30 =	sld [smem:$0x0];
	_ =	sdelay $0x2  }
0xba: {  	s31 =	sshll.u32 s1, $0xD;
	s1 =	sshrl.u32 s1, $0x2  }
0xbb: {  	s3 =	sand.u32 $0x4000, s31;
	s1 =	sadd.s32 s1, s30  }
0xbc: {  	s0 =	sor.u32 s3, s0;
	s1 =	sshll.u32 s1, $0x11  }
0xbd: {  	s0 =	sor.u32 s1, s0  }
0xbe: {  	s0 =	sadd.s32 $0x8F2B, s0  }
0xbf: {  	[sflag:s0] =	ssyncadd.remote.s32 $0x1  }
0xc0: {  	_ =	sfence.sel $0xFFFF  }
0xc1: {  	[dreg:$0x0] =	wrdreg $0xFFFFFFFF;
	(pc) =	sbr.abs _section_cstart, $3  }
0xc2: {  	[dreg:$0x1] =	wrdreg $0xFFFFFFFF  }
0xc3: {  	_ =	task.clear_ibuf [dreg:s8], $0x2FFFF;
	_ =	strace $0x9FFFFFFF  }
0xc4: {  	(tm) =	ssettm $0x7FFFFFFF  }
0xc5: {  	_ =	shalt  }
tec
execute0_lowered:
.L_overlay_start_1:
0x0: {  	(tag) =	ssettag $0x1  }
0x1: {  	s2 =	rddreg [dreg:$0x0];
	s1 =	srdreg.scid  }
0x2: {  	s4 =	rddreg [dreg:$0x1];
	s0 =	stileid.u32;
	s6 =	sand.u32 $0x1, s1  }
0x3: {  	s9 =	rddreg [dreg:$0x2];
	s5 =	sshll.u32 s0, $0x6;
	s7 =	sshll.u32 s6, $0x5  }
0x4: {  	s3 =	simm.s32 $0x0;
	s1 =	rddreg [dreg:$0x3];
	s7 =	sor.u32 s7, s5  }
0x5: {  	[smem:$0x7FF] =	sst s3;
	s10 =	sshrl.u32 s7, $0x3  }
0x6: {  	_ =	strace $0x80000047;
	s5 =	sadd.s32 s4, s10;
	s4 =	simm.s32 $0x2  }
0x7: {  	[tilespmem:s3], [sflag:$0x2] =	stream.linear.gather [hbm4b:s5+s3], $0x20, $0x38;
	[tilespmem:$0x100] =	vst v63  }
0x8: {  	_ =	swait.ge [sflag:s4], $0x20  }
0x9: {  	[sflag:s4] =	ssyncset.done $0x0  }
0xa: {  	[sflag:s4] =	ssyncadd.s32 $0xFFFFFFE0  }
0xb: {  	v3 =	vld [tilespmem:$0x10]  }
0xc: {  	v1 =	vlaneseq.u32;
	v0 =	vmov s7;
	v4 =	vld [tilespmem:$0x0]  }
0xd: {  	v2 =	vor.u32 s7, v1;
	s7 =	sor.u32 $0x10, s7;
	v0 =	vshll.u32 v0, $0x3  }
0xe: {  	v2 =	vand.u32 $0x6F, v2;
	v5 =	vmov s7;
	v0 =	vand.u32 $0x1C00, v0  }
0xf: {  	v0 =	vor.u32 v0, v2;
	v2 =	vshll.u32 v5, $0x3  }
0x10: {  	v60 =	vor.u32 s7, v1;
	v1 =	vand.u32 $0x7FFFFC00, v2;
	v6 =	vshll.u32 v3, $0xA  }
0x11: {  	v3 =	vshll.u32 v3, $0x7;
	v62 =	vshll.u32 v4, $0xA;
	v4 =	vshll.u32 v4, $0x7  }
0x12: {  	s11 =	ssub.s32 $0x2, s6;
	v61 =	vand.u32 $0xFFFFE000, v6;
	v3 =	vand.u32 $0x380, v3;
	v6 =	vand.u32 $0xFFFFE000, v62  }
0x13: {  	s12 =	sshrl.u32 s11, $0x1;
	v4 =	vand.u32 $0x380, v4;
	v5 =	vadd.s32 v1, v61;
	v63 =	vor.u32 v6, v0  }
0x14: {  	s31 =	ssub.s32 s11, s12;
	v2 =	vand.u32 $0x7F, v60;
	v3 =	vor.u32 v3, v5;
	v4 =	vor.u32 v4, v63  }
0x15: {  	s8 =	simm.s32 $0x1;
	s9 =	sadd.s32 s10, s9;
	s10 =	smax.u32 s31, $0x1;
	v3 =	vor.u32 v2, v3;
	[tilespmem:$0x0] =	vst v4  }
0x16: {  	s6 =	simm.s32 $0x20;
	s7 =	simm.s32 $0x80;
	p0 =	sne.s32 s10, $0x1;
	[tilespmem:$0x10] =	vst v3  }
0x17: {  	[tilespmem:s7], [sflag:$0x1] =	stream.indirect.gather [hbm4b:s2+s6], $0x1, s3, s6, $0xb8;
	[tilespmem:$0x100] =	vst v63  }
.Ltmp0:
0x18: {  	_ =	swait.ge [sflag:s8], $0x20;
	(pc) =	sbr.rel @!p0 .LBB2_2-.Ltmp0, $4  }
0x19: {  	[sflag:s8] =	ssyncset.done $0x0  }
0x1a: {  	s9 =	sadd.s32 $0x600, s9;
	[sflag:s8] =	ssyncadd.s32 $0xFFFFFFE0  }
0x1b: {  	[hbm4b:s9+s3] =	stream.linear.scatter [tilespmem:s7], [sflag:$0x2], $0x20, $0x38;
	[tilespmem:$0x100] =	vst v63  }
0x1c: {  	s10 =	sadd.s32 $0xFFFFFFFF, s10;
	_ =	swait.ge [sflag:s4], $0x20  }
.LBB2_1:
0x1d: {  	p0 =	sne.s32 s10, $0x1;
	s10 =	sadd.s32 $0xFFFFFFFF, s10;
	[sflag:s4] =	ssyncset.done $0x0  }
0x1e: {  	[sflag:s4] =	ssyncadd.s32 $0xFFFFFFE0  }
0x1f: {  	[tilespmem:s3], [sflag:$0x2] =	stream.linear.gather [hbm4b:s5+s3], $0x20, $0x38;
	[tilespmem:$0x100] =	vst v63  }
0x20: {  	_ =	swait.ge [sflag:s4], $0x20  }
0x21: {  	[sflag:s4] =	ssyncset.done $0x0  }
0x22: {  	[sflag:s4] =	ssyncadd.s32 $0xFFFFFFE0  }
0x23: {  	v3 =	vld [tilespmem:$0x10]  }
0x24: {  	v4 =	vld [tilespmem:$0x0];
	_ =	sdelay $0x3  }
0x25: {  	v5 =	vshll.u32 v3, $0xA;
	v3 =	vshll.u32 v3, $0x7  }
0x26: {  	v6 =	vshll.u32 v4, $0xA;
	v4 =	vshll.u32 v4, $0x7;
	v5 =	vand.u32 $0xFFFFE000, v5  }
0x27: {  	v3 =	vand.u32 $0x380, v3;
	v6 =	vand.u32 $0xFFFFE000, v6;
	v5 =	vadd.s32 v1, v5  }
0x28: {  	v4 =	vand.u32 $0x380, v4;
	v6 =	vor.u32 v6, v0;
	v3 =	vor.u32 v3, v5  }
0x29: {  	v4 =	vor.u32 v4, v6;
	v3 =	vor.u32 v2, v3  }
0x2a: {  	[tilespmem:$0x10] =	vst v3  }
0x2b: {  	[tilespmem:$0x0] =	vst v4  }
0x2c: {  	[tilespmem:s7], [sflag:$0x1] =	stream.indirect.gather [hbm4b:s2+s6], $0x1, s3, s6, $0xb8;
	[tilespmem:$0x100] =	vst v63  }
.Ltmp1:
0x2d: {  	_ =	swait.ge [sflag:s8], $0x20;
	(pc) =	sbr.rel @p0 .LBB2_1-.Ltmp1, $4  }
0x2e: {  	[sflag:s8] =	ssyncset.done $0x0  }
0x2f: {  	[sflag:s8] =	ssyncadd.s32 $0xFFFFFFE0  }
0x30: {  	[hbm4b:s9+s3] =	stream.linear.scatter [tilespmem:s7], [sflag:$0x2], $0x20, $0x38;
	[tilespmem:$0x100] =	vst v63  }
0x31: {  	_ =	swait.ge [sflag:s4], $0x20  }
.LBB2_2:
0x32: {  	[sflag:s4] =	ssyncset.done $0x0  }
0x33: {  	[sflag:s4] =	ssyncadd.s32 $0xFFFFFFE0  }
0x34: {  	_ =	sfence.sel $0x180000  }
0x35: {  	[bflag:$0x0] =	sbarrier.arrive $0xFFFF  }
0x36: {  	p0 =	sne.s32 s0, $0x0;
	_ =	strace $0x90000047  }
0x37: {  	s0 =	sadd.s32 @!p0 $0x100000, s1;
	[bflag:$0x2] =	sbarrier.arrive $0xFFFF  }
0x38: {  	[sflag:s0] =	ssyncadd.tile.s32 @!p0 $0x1;
	_ =	shalt  }
.Lfunc_end2:
_tile_overlayer_lowered:
.L_overlay_start_2:
0x39: {  	(tag) =	ssettag $0x2  }
0x3a: {  	s0 =	rddreg [dreg:$0x0];
	s2 =	stileid.u32  }
0x3b: {  	s1 =	rddreg [dreg:$0x1];
	p0 =	sne.s32 s2, $0x0  }
0x3c: {  	s3 =	rddreg [dreg:$0x2];
	[bflag:$0x3] =	sbarrier.arrive $0xFFFF;
	s2 =	simm.s32 @!p0 $0x1C02  }
0x3d: {  	[timem:s3], [sflag:s2] =	dma.local @!p0 [hbm:s0], s1  }
0x3e: {  	s0 =	simm.s32 @!p0 $0x2  }
0x3f: {  	_ =	swait.ge @!p0 [sflag:s0], s1  }
0x40: {  	s1 =	ssub.s32 @!p0 $0x0, s1;
	[sflag:s0] =	ssyncset.done @!p0 $0x0  }
0x41: {  	[sflag:s0] =	ssyncadd.s32 @!p0 s1  }
0x42: {  	[bflag:$0x3] =	sbarrier.arrive $0xFFFF  }
0x43: {  	_ =	shalt  }

</sc_bundles>
